<compile_context>
chip_gen: v7x
topology: tpu7x:2x2x1
jax: 0.10.2.dev20260603
libtpu: 0.0.44.dev20260713+nightly
codegen_flags: <defaults>
</compile_context>

<pallas_src>
import jax
import jax.numpy as jnp
import numpy as np
from jax.experimental import pallas as pl
from jax.experimental.pallas import tpu as pltpu
from jax.experimental.pallas import tpu_sc as plsc

N = 10000
E = 320000
IN_DIM = 128
HID = 64
OUT = 64

NPAD = 10240
RW = 80
NW = 32
NBLK = 81
EPAD = NW * NBLK * 128
ROWS_PER_TILE = NPAD // 16

_PERM = np.concatenate([
    np.arange(0, 32, 2), np.arange(1, 32, 2),
    np.arange(32, 64, 2), np.arange(33, 64, 2)])
_INV_PERM = np.argsort(_PERM)



def _dense1_body(x_ref, w_ref, as_ref, ad_ref, h_ref, asrc_ref, adst_ref):
    h = jax.lax.dot_general(
        x_ref[...], w_ref[...], (((1,), (0,)), ((), ())),
        precision=jax.lax.Precision.HIGHEST,
        preferred_element_type=jnp.float32)
    asrc_ref[...] = jnp.sum(h * as_ref[...], axis=1)
    adst_ref[...] = jnp.sum(h * ad_ref[...], axis=1)
    h_ref[...] = h


def _dense2_body(a0_ref, a1_ref, w_ref, as_ref, ad_ref, b1_ref,
                 h_ref, asrc_ref, adst_ref):
    acc = a0_ref[...] + a1_ref[...]
    x1 = acc[:, :HID] / acc[:, HID:HID + 1] + b1_ref[...]
    x1 = jnp.maximum(x1, 0.0)
    h = jax.lax.dot_general(
        x1, w_ref[...], (((1,), (0,)), ((), ())),
        precision=jax.lax.Precision.HIGHEST,
        preferred_element_type=jnp.float32)
    asrc_ref[...] = jnp.sum(h * as_ref[...], axis=1)
    adst_ref[...] = jnp.sum(h * ad_ref[...], axis=1)
    h_ref[...] = h


def _final_body(a0_ref, a1_ref, b2_ref, out_ref):
    acc = a0_ref[...] + a1_ref[...]
    out_ref[...] = acc[:, :OUT] / acc[:, OUT:OUT + 1] + b2_ref[...]


_ROWS_BLK = 1024
_GRID = NPAD // _ROWS_BLK


def _dense1(xpad, W1, asv, adv):
    return pl.pallas_call(
        _dense1_body,
        grid=(_GRID,),
        in_specs=[
            pl.BlockSpec((_ROWS_BLK, IN_DIM), lambda i: (i, 0)),
            pl.BlockSpec((IN_DIM, HID), lambda i: (0, 0)),
            pl.BlockSpec((1, HID), lambda i: (0, 0)),
            pl.BlockSpec((1, HID), lambda i: (0, 0)),
        ],
        out_specs=[
            pl.BlockSpec((_ROWS_BLK, HID), lambda i: (i, 0)),
            pl.BlockSpec((_ROWS_BLK,), lambda i: (i,)),
            pl.BlockSpec((_ROWS_BLK,), lambda i: (i,)),
        ],
        out_shape=[
            jax.ShapeDtypeStruct((NPAD, HID), jnp.float32),
            jax.ShapeDtypeStruct((NPAD,), jnp.float32),
            jax.ShapeDtypeStruct((NPAD,), jnp.float32),
        ],
    )(xpad, W1, asv, adv)


def _dense2(acc0, acc1, W2, asv, adv, b1):
    return pl.pallas_call(
        _dense2_body,
        grid=(_GRID,),
        in_specs=[
            pl.BlockSpec((_ROWS_BLK, RW), lambda i: (i, 0)),
            pl.BlockSpec((_ROWS_BLK, RW), lambda i: (i, 0)),
            pl.BlockSpec((HID, OUT), lambda i: (0, 0)),
            pl.BlockSpec((1, OUT), lambda i: (0, 0)),
            pl.BlockSpec((1, OUT), lambda i: (0, 0)),
            pl.BlockSpec((1, HID), lambda i: (0, 0)),
        ],
        out_specs=[
            pl.BlockSpec((_ROWS_BLK, HID), lambda i: (i, 0)),
            pl.BlockSpec((_ROWS_BLK,), lambda i: (i,)),
            pl.BlockSpec((_ROWS_BLK,), lambda i: (i,)),
        ],
        out_shape=[
            jax.ShapeDtypeStruct((NPAD, HID), jnp.float32),
            jax.ShapeDtypeStruct((NPAD,), jnp.float32),
            jax.ShapeDtypeStruct((NPAD,), jnp.float32),
        ],
    )(acc0, acc1, W2, asv, adv, b1)


def _final(acc0, acc1, b2):
    return pl.pallas_call(
        _final_body,
        grid=(_GRID,),
        in_specs=[
            pl.BlockSpec((_ROWS_BLK, RW), lambda i: (i, 0)),
            pl.BlockSpec((_ROWS_BLK, RW), lambda i: (i, 0)),
            pl.BlockSpec((1, OUT), lambda i: (0, 0)),
        ],
        out_specs=pl.BlockSpec((_ROWS_BLK, OUT), lambda i: (i, 0)),
        out_shape=jax.ShapeDtypeStruct((NPAD, OUT), jnp.float32),
    )(acc0, acc1, b2)



_MESH = plsc.VectorSubcoreMesh(core_axis_name="c", subcore_axis_name="s")


def _edge_body(h_hbm, asrc_hbm, adst_hbm, src_hbm, dst_hbm,
               out0, out1,
               asrc_v, adst_v, src_v, dst_v, rows_g, rows0, w0, acc_sh, h_sh,
               gs0):
    cid = jax.lax.axis_index("c")
    sid = jax.lax.axis_index("s")
    wid = cid * 16 + sid

    @pl.loop(0, 128)
    def _(r):
        for c5 in range(RW // 16):
            rows0[r, pl.ds(c5 * 16, 16)] = jnp.zeros((16,), jnp.float32)

    @pl.loop(0, ROWS_PER_TILE // 128)
    def _(k):
        pltpu.sync_copy(rows0, acc_sh.at[pl.ds(sid * ROWS_PER_TILE + k * 128, 128)])

    pltpu.sync_copy(h_hbm.at[pl.ds(sid * ROWS_PER_TILE, ROWS_PER_TILE)],
                    h_sh.at[pl.ds(sid * ROWS_PER_TILE, ROWS_PER_TILE)])
    pltpu.sync_copy(asrc_hbm, asrc_v)
    pltpu.sync_copy(adst_hbm, adst_v)
    pltpu.sync_copy(src_hbm.at[wid], src_v)
    pltpu.sync_copy(dst_hbm.at[wid], dst_v)
    plsc.subcore_barrier()

    def compute_w(b, w_ref):
        @pl.loop(0, 8)
        def _(g):
            sl = pl.ds(g * 16, 16)
            av = (plsc.load_gather(asrc_v, [src_v[b, sl]])
                  + plsc.load_gather(adst_v, [dst_v[b, sl]]))
            av = jnp.where(av > 0.0, av, av * jnp.float32(0.2))
            w_ref[sl] = jnp.exp(av)

    def scale(src_ref, w_ref):
        @pl.loop(0, 128)
        def _(r):
            wv = plsc.load_gather(w_ref, [jnp.full((16,), 0, jnp.int32) + r])
            for c2 in range(2):
                xi = plsc.bitcast(src_ref[r, pl.ds(c2 * 32, 32)], jnp.int32)
                lo = plsc.bitcast(jax.lax.shift_left(xi, 16), jnp.float32)
                hi = plsc.bitcast(xi & jnp.int32(-65536), jnp.float32)
                rows0[r, pl.ds(c2 * 32, 16)] = lo * wv
                rows0[r, pl.ds(c2 * 32 + 16, 16)] = hi * wv
            rows0[r, pl.ds(64, 16)] = wv

    pltpu.async_copy(h_sh.at[src_v.at[0]], rows_g, gs0)

    @pl.loop(0, NBLK - 1)
    def _(b):
        compute_w(b, w0)
        pltpu.make_async_copy(h_sh.at[src_v.at[b]], rows_g, gs0).wait()
        scale(rows_g, w0)
        pltpu.async_copy(h_sh.at[src_v.at[b + 1]], rows_g, gs0)
        pltpu.sync_copy(rows0, acc_sh.at[dst_v.at[b]], add=True)

    compute_w(NBLK - 1, w0)
    pltpu.make_async_copy(h_sh.at[src_v.at[NBLK - 1]], rows_g, gs0).wait()
    scale(rows_g, w0)
    pltpu.sync_copy(rows0, acc_sh.at[dst_v.at[NBLK - 1]], add=True)

    plsc.subcore_barrier()

    @pl.when(cid == 0)
    def _():
        pltpu.sync_copy(acc_sh.at[pl.ds(sid * ROWS_PER_TILE, ROWS_PER_TILE)],
                        out0.at[pl.ds(sid * ROWS_PER_TILE, ROWS_PER_TILE)])

    @pl.when(cid == 1)
    def _():
        pltpu.sync_copy(acc_sh.at[pl.ds(sid * ROWS_PER_TILE, ROWS_PER_TILE)],
                        out1.at[pl.ds(sid * ROWS_PER_TILE, ROWS_PER_TILE)])


def _edge_pass(h16, asrc, adst, srcw, dstw):
    k = pl.kernel(
        _edge_body,
        out_type=(jax.ShapeDtypeStruct((NPAD, RW), jnp.float32),
                  jax.ShapeDtypeStruct((NPAD, RW), jnp.float32)),
        mesh=_MESH,
        scratch_types=[
            pltpu.VMEM((NPAD,), jnp.float32),
            pltpu.VMEM((NPAD,), jnp.float32),
            pltpu.VMEM((NBLK, 128), jnp.int32),
            pltpu.VMEM((NBLK, 128), jnp.int32),
            pltpu.VMEM((128, HID), jnp.bfloat16),
            pltpu.VMEM((128, RW), jnp.float32),
            pltpu.VMEM((128,), jnp.float32),
            pltpu.VMEM_SHARED((NPAD, RW), jnp.float32),
            pltpu.VMEM_SHARED((NPAD, HID), jnp.bfloat16),
            pltpu.SemaphoreType.DMA,
        ],
        compiler_params=pltpu.CompilerParams(needs_layout_passes=False,
                                             use_tc_tiling_on_sc=False),
    )
    return k(h16, asrc, adst, srcw, dstw)



def kernel(x, edge_index, W1, att_src1, att_dst1, b1, W2, att_src2, att_dst2, b2):
    ei = edge_index.astype(jnp.int32)
    loop = jnp.arange(N, dtype=jnp.int32)
    pad_src = jnp.full((EPAD - E - N,), N, dtype=jnp.int32)
    pad_dst = N + jnp.arange(EPAD - E - N, dtype=jnp.int32) % (NPAD - N)
    srcw = jnp.concatenate([ei[0], loop, pad_src]).reshape(NW, NBLK, 128)
    dstw = jnp.concatenate([ei[1], loop, pad_dst]).reshape(NW, NBLK, 128)

    xpad = jnp.pad(x, ((0, NPAD - N), (0, 0)))

    h1, asrc1, adst1 = _dense1(
        xpad, W1,
        att_src1.reshape(1, HID), att_dst1.reshape(1, HID))
    acc0, acc1 = _edge_pass(h1.astype(jnp.bfloat16), asrc1, adst1, srcw, dstw)

    h2, asrc2, adst2 = _dense2(
        acc0, acc1, W2[_PERM, :],
        att_src2.reshape(1, OUT), att_dst2.reshape(1, OUT),
        b1.reshape(1, HID)[:, _PERM])
    acc0b, acc1b = _edge_pass(h2.astype(jnp.bfloat16), asrc2, adst2, srcw, dstw)

    out = _final(acc0b, acc1b, b2.reshape(1, OUT)[:, _PERM])
    return out[:N][:, _INV_PERM]

# --- scband reference (transcript-rebuilt; emitter-appended) ---
"""Pipeline reference for scband-gat-197568496078 (READ-ONLY COPY).

The authoritative reference and input builder live on the scoring server;
editing this copy changes nothing except your own understanding.
"""

import jax, jax.numpy as jnp
import numpy as np

N = 10000
E = 320000
IN_DIM = 128
HID = 64
OUT = 64
HEADS = 1


def gat_conv(x, edge_index, W, att_src, att_dst, bias, heads, out_ch, concat):
    n = x.shape[0]
    src = edge_index[0]
    dst = edge_index[1]
    # add self loops
    loop = jnp.arange(n, dtype=edge_index.dtype)
    src = jnp.concatenate([src, loop])
    dst = jnp.concatenate([dst, loop])
    # linear projection -> [N, H, C]
    h = (x @ W).reshape(n, heads, out_ch)
    # attention logits per node
    a_src = (h * att_src).sum(-1)  # [N, H]
    a_dst = (h * att_dst).sum(-1)  # [N, H]
    alpha = a_src[src] + a_dst[dst]  # [E', H]
    alpha = jax.nn.leaky_relu(alpha, negative_slope=0.2)
    # softmax over incoming edges per dst node
    amax = jax.ops.segment_max(alpha, dst, num_segments=n)
    amax = jnp.where(jnp.isfinite(amax), amax, 0.0)
    alpha = jnp.exp(alpha - amax[dst])
    denom = jax.ops.segment_sum(alpha, dst, num_segments=n)
    alpha = alpha / (denom[dst] + 1e-16)
    # dropout on alpha: eval mode -> identity
    msg = h[src] * alpha[:, :, None]  # [E', H, C]
    out = jax.ops.segment_sum(msg, dst, num_segments=n)  # [N, H, C]
    if concat:
        out = out.reshape(n, heads * out_ch)
    else:
        out = out.mean(axis=1)
    return out + bias


def setup_inputs(seed: int = 0) -> dict:
    key = jax.random.key(seed)
    ks = jax.random.split(key, 12)
    x = jax.random.normal(ks[0], (N, IN_DIM), dtype=jnp.float32)
    edge_index = jax.random.randint(ks[1], (2, E), 0, N, dtype=jnp.int64)
    W1 = jax.random.normal(ks[2], (IN_DIM, HEADS * HID), dtype=jnp.float32) * (1.0 / np.sqrt(IN_DIM))
    att_src1 = jax.random.normal(ks[3], (1, HEADS, HID), dtype=jnp.float32) * 0.1
    att_dst1 = jax.random.normal(ks[4], (1, HEADS, HID), dtype=jnp.float32) * 0.1
    b1 = jnp.zeros((HEADS * HID,), dtype=jnp.float32)
    W2 = jax.random.normal(ks[5], (HEADS * HID, HEADS * OUT), dtype=jnp.float32) * (1.0 / np.sqrt(HEADS * HID))
    att_src2 = jax.random.normal(ks[6], (1, HEADS, OUT), dtype=jnp.float32) * 0.1
    att_dst2 = jax.random.normal(ks[7], (1, HEADS, OUT), dtype=jnp.float32) * 0.1
    b2 = jnp.zeros((OUT,), dtype=jnp.float32)
    return {"x": x, "edge_index": edge_index, "W1": W1, "att_src1": att_src1, "att_dst1": att_dst1, "b1": b1, "W2": W2, "att_src2": att_src2, "att_dst2": att_dst2, "b2": b2}


def reference(x, edge_index, W1, att_src1, att_dst1, b1, W2, att_src2, att_dst2, b2):
    h = gat_conv(x, edge_index, W1, att_src1, att_dst1, b1, HEADS, HID, True)
    h = jax.nn.relu(h)
    # feature dropout: eval mode -> identity
    out = gat_conv(h, edge_index, W2, att_src2, att_dst2, b2, HEADS, OUT, False)
    return out

if __name__ == "__main__":
    import jax
    _d = setup_inputs()
    print(jax.jit(kernel)(*tuple(_d.values())))

</pallas_src>

<mosaic_0001>
#map = affine_map<(d0, d1) -> (0, 0)>
#map1 = affine_map<(d0, d1) -> (0)>
#map2 = affine_map<(d0, d1) -> (0, 0, 0)>
module attributes {stable_mosaic.version = 14 : i64} {
  func.func @_edge_body(%arg0: i32, %arg1: i32, %arg2: memref<10240x64xbf16, #tpu.memory_space<hbm>>, %arg3: memref<10240xf32, #tpu.memory_space<hbm>>, %arg4: memref<10240xf32, #tpu.memory_space<hbm>>, %arg5: memref<32x81x128xi32, #tpu.memory_space<hbm>>, %arg6: memref<32x81x128xi32, #tpu.memory_space<hbm>>, %arg7: memref<10240x80xf32, #tpu.memory_space<hbm>>, %arg8: memref<10240x80xf32, #tpu.memory_space<hbm>>, %arg9: memref<10240xf32, #tpu.memory_space<vmem>>, %arg10: memref<10240xf32, #tpu.memory_space<vmem>>, %arg11: memref<81x128xi32, #tpu.memory_space<vmem>>, %arg12: memref<81x128xi32, #tpu.memory_space<vmem>>, %arg13: memref<128x64xbf16, #tpu.memory_space<vmem>>, %arg14: memref<128x80xf32, #tpu.memory_space<vmem>>, %arg15: memref<128xf32, #tpu.memory_space<vmem>>, %arg16: memref<10240x80xf32, #tpu.memory_space<vmem_shared>>, %arg17: memref<10240x64xbf16, #tpu.memory_space<vmem_shared>>, %arg18: memref<!tpu.dma_semaphore, #tpu.memory_space<semaphore_mem>>) attributes {dimension_semantics = [#tpu.dimension_semantics<core_parallel>, #tpu.dimension_semantics<subcore_parallel>], iteration_bounds = array<i64: 2, 16>, scalar_prefetch = 0 : i64, scratch_operands = 10 : i64, tpu.core_type = #tpu.core_type<sc_vector_subcore>, window_params = [{transform_indices = #map}, {transform_indices = #map1}, {transform_indices = #map1}, {transform_indices = #map2}, {transform_indices = #map2}, {transform_indices = #map}, {transform_indices = #map}]} {
    %mul3A = arith.constant 16 : i32
    %mul3A_0 = arith.muli %arg0, %mul3A : i32
    %add3A = arith.addi %mul3A_0, %arg1 : i32
    %scan3A = arith.constant 0 : i32
    %scan3A_1 = arith.constant 128 : i32
    %scan3A_2 = arith.addi %scan3A, %scan3A_1 : i32
    %scan3A_3 = arith.constant 1 : i32
    scf.for %scan3A_49 = %scan3A to %scan3A_2 step %scan3A_3  : i32 {
      %mul3A_50 = arith.constant 1 : i32
      %mul3A_51 = arith.muli %scan3A_49, %mul3A_50 : i32
      %add3A_52 = arith.constant 0 : i32
      %add3A_53 = arith.addi %add3A_52, %mul3A_51 : i32
      %broadcast_in_dim3A = arith.constant 0.000000e+00 : f32
      %broadcast_in_dim3A_54 = vector.broadcast %broadcast_in_dim3A : f32 to vector<16xf32>
      %swap3A = arith.index_cast %add3A_53 : i32 to index
      %swap3A_55 = arith.constant 0 : index
      %swap3A_56 = tpu.vector_load %arg14[%swap3A, %swap3A_55] {strides = array<i32>} : memref<128x80xf32, #tpu.memory_space<vmem>>, vector<16xf32>,
      tpu.vector_store %arg14[%swap3A, %swap3A_55], %broadcast_in_dim3A_54 {strides = array<i32>} : memref<128x80xf32, #tpu.memory_space<vmem>>, vector<16xf32>,
      %broadcast_in_dim3A_57 = arith.constant 0.000000e+00 : f32
      %broadcast_in_dim3A_58 = vector.broadcast %broadcast_in_dim3A_57 : f32 to vector<16xf32>
      %swap3A_59 = arith.index_cast %add3A_53 : i32 to index
      %swap3A_60 = arith.constant 16 : index
      %swap3A_61 = tpu.vector_load %arg14[%swap3A_59, %swap3A_60] {strides = array<i32>} : memref<128x80xf32, #tpu.memory_space<vmem>>, vector<16xf32>,
      tpu.vector_store %arg14[%swap3A_59, %swap3A_60], %broadcast_in_dim3A_58 {strides = array<i32>} : memref<128x80xf32, #tpu.memory_space<vmem>>, vector<16xf32>,
      %broadcast_in_dim3A_62 = arith.constant 0.000000e+00 : f32
      %broadcast_in_dim3A_63 = vector.broadcast %broadcast_in_dim3A_62 : f32 to vector<16xf32>
      %swap3A_64 = arith.index_cast %add3A_53 : i32 to index
      %swap3A_65 = arith.constant 32 : index
      %swap3A_66 = tpu.vector_load %arg14[%swap3A_64, %swap3A_65] {strides = array<i32>} : memref<128x80xf32, #tpu.memory_space<vmem>>, vector<16xf32>,
      tpu.vector_store %arg14[%swap3A_64, %swap3A_65], %broadcast_in_dim3A_63 {strides = array<i32>} : memref<128x80xf32, #tpu.memory_space<vmem>>, vector<16xf32>,
      %broadcast_in_dim3A_67 = arith.constant 0.000000e+00 : f32
      %broadcast_in_dim3A_68 = vector.broadcast %broadcast_in_dim3A_67 : f32 to vector<16xf32>
      %swap3A_69 = arith.index_cast %add3A_53 : i32 to index
      %swap3A_70 = arith.constant 48 : index
      %swap3A_71 = tpu.vector_load %arg14[%swap3A_69, %swap3A_70] {strides = array<i32>} : memref<128x80xf32, #tpu.memory_space<vmem>>, vector<16xf32>,
      tpu.vector_store %arg14[%swap3A_69, %swap3A_70], %broadcast_in_dim3A_68 {strides = array<i32>} : memref<128x80xf32, #tpu.memory_space<vmem>>, vector<16xf32>,
      %broadcast_in_dim3A_72 = arith.constant 0.000000e+00 : f32
      %broadcast_in_dim3A_73 = vector.broadcast %broadcast_in_dim3A_72 : f32 to vector<16xf32>
      %swap3A_74 = arith.index_cast %add3A_53 : i32 to index
      %swap3A_75 = arith.constant 64 : index
      %swap3A_76 = tpu.vector_load %arg14[%swap3A_74, %swap3A_75] {strides = array<i32>} : memref<128x80xf32, #tpu.memory_space<vmem>>, vector<16xf32>,
      tpu.vector_store %arg14[%swap3A_74, %swap3A_75], %broadcast_in_dim3A_73 {strides = array<i32>} : memref<128x80xf32, #tpu.memory_space<vmem>>, vector<16xf32>,
    }
    %scan3A_4 = arith.constant 128 : i32
    %scan3A_5 = arith.constant 0 : i32
    %scan3A_6 = arith.constant 5 : i32
    %scan3A_7 = arith.addi %scan3A_5, %scan3A_6 : i32
    %scan3A_8 = arith.constant 1 : i32
    scf.for %scan3A_49 = %scan3A_5 to %scan3A_7 step %scan3A_8  : i32 {
      %mul3A_50 = arith.constant 1 : i32
      %mul3A_51 = arith.muli %scan3A_49, %mul3A_50 : i32
      %add3A_52 = arith.constant 0 : i32
      %add3A_53 = arith.addi %add3A_52, %mul3A_51 : i32
      %mul3A_54 = arith.constant 640 : i32
      %mul3A_55 = arith.muli %arg1, %mul3A_54 : i32
      %mul3A_56 = arith.constant 128 : i32
      %mul3A_57 = arith.muli %add3A_53, %mul3A_56 : i32
      %add3A_58 = arith.addi %mul3A_55, %mul3A_57 : i32
      "tpu.region"() ({
        %run_scoped3A_59 = tpu.sem_alloc : memref<!tpu.dma_semaphore, #tpu.memory_space<semaphore_mem>>
        %dma_start3A_60 = arith.constant 0 : i32
        %dma_start3A_61 = tpu.memref_slice %arg16[%add3A_58, %dma_start3A_60] : memref<10240x80xf32, #tpu.memory_space<vmem_shared>> -> memref<128x80xf32, #tpu.memory_space<vmem_shared>>
        %dma_start3A_62 = arith.constant 0 : i32
        %dma_start3A_63 = tpu.memref_slice %arg16[%add3A_58, %dma_start3A_62] : memref<10240x80xf32, #tpu.memory_space<vmem_shared>> -> memref<128x80xf32, #tpu.memory_space<vmem_shared>>
        tpu.enqueue_dma source(%arg14 : memref<128x80xf32, #tpu.memory_space<vmem>>) target(%dma_start3A_63 : memref<128x80xf32, #tpu.memory_space<vmem_shared>>) target_semaphore(%run_scoped3A_59 : memref<!tpu.dma_semaphore, #tpu.memory_space<semaphore_mem>>)
        %dma_wait3A_64 = arith.constant 0 : i32
        %dma_wait3A_65 = tpu.memref_slice %arg16[%add3A_58, %dma_wait3A_64] : memref<10240x80xf32, #tpu.memory_space<vmem_shared>> -> memref<128x80xf32, #tpu.memory_space<vmem_shared>>
        %dma_wait3A_66 = arith.constant 0 : i32
        %dma_wait3A_67 = tpu.memref_slice %arg16[%add3A_58, %dma_wait3A_66] : memref<10240x80xf32, #tpu.memory_space<vmem_shared>> -> memref<128x80xf32, #tpu.memory_space<vmem_shared>>
        tpu.wait_dma2 semaphore(%run_scoped3A_59 : memref<!tpu.dma_semaphore, #tpu.memory_space<semaphore_mem>>) src(%arg14 : memref<128x80xf32, #tpu.memory_space<vmem>>) dst(%dma_wait3A_67 : memref<128x80xf32, #tpu.memory_space<vmem_shared>>)
        tpu.yield
      }) : () -> ()
    }
    %scan3A_9 = arith.constant 5 : i32
    %mul3A_10 = arith.constant 640 : i32
    %mul3A_11 = arith.muli %arg1, %mul3A_10 : i32
    %mul3A_12 = arith.constant 640 : i32
    %mul3A_13 = arith.muli %arg1, %mul3A_12 : i32
    "tpu.region"() ({
      %run_scoped3A_49 = tpu.sem_alloc : memref<!tpu.dma_semaphore, #tpu.memory_space<semaphore_mem>>
      %dma_start3A_50 = arith.constant 0 : i32
      %dma_start3A_51 = tpu.memref_slice %arg17[%mul3A_13, %dma_start3A_50] : memref<10240x64xbf16, #tpu.memory_space<vmem_shared>> -> memref<640x64xbf16, #tpu.memory_space<vmem_shared>>
      %dma_start3A_52 = arith.constant 0 : i32
      %dma_start3A_53 = tpu.memref_slice %arg2[%mul3A_11, %dma_start3A_52] : memref<10240x64xbf16, #tpu.memory_space<hbm>> -> memref<640x64xbf16, #tpu.memory_space<hbm>>
      tpu.enqueue_dma source(%dma_start3A_53 : memref<640x64xbf16, #tpu.memory_space<hbm>>) target(%dma_start3A_51 : memref<640x64xbf16, #tpu.memory_space<vmem_shared>>) target_semaphore(%run_scoped3A_49 : memref<!tpu.dma_semaphore, #tpu.memory_space<semaphore_mem>>)
      %dma_wait3A_54 = arith.constant 0 : i32
      %dma_wait3A_55 = tpu.memref_slice %arg17[%mul3A_13, %dma_wait3A_54] : memref<10240x64xbf16, #tpu.memory_space<vmem_shared>> -> memref<640x64xbf16, #tpu.memory_space<vmem_shared>>
      %dma_wait3A_56 = arith.constant 0 : i32
      %dma_wait3A_57 = tpu.memref_slice %arg2[%mul3A_11, %dma_wait3A_56] : memref<10240x64xbf16, #tpu.memory_space<hbm>> -> memref<640x64xbf16, #tpu.memory_space<hbm>>
      tpu.wait_dma2 semaphore(%run_scoped3A_49 : memref<!tpu.dma_semaphore, #tpu.memory_space<semaphore_mem>>) src(%dma_wait3A_57 : memref<640x64xbf16, #tpu.memory_space<hbm>>) dst(%dma_wait3A_55 : memref<640x64xbf16, #tpu.memory_space<vmem_shared>>)
      tpu.yield
    }) : () -> ()
    "tpu.region"() ({
      %run_scoped3A_49 = tpu.sem_alloc : memref<!tpu.dma_semaphore, #tpu.memory_space<semaphore_mem>>
      tpu.enqueue_dma source(%arg3 : memref<10240xf32, #tpu.memory_space<hbm>>) target(%arg9 : memref<10240xf32, #tpu.memory_space<vmem>>) target_semaphore(%run_scoped3A_49 : memref<!tpu.dma_semaphore, #tpu.memory_space<semaphore_mem>>)
      tpu.wait_dma2 semaphore(%run_scoped3A_49 : memref<!tpu.dma_semaphore, #tpu.memory_space<semaphore_mem>>) src(%arg3 : memref<10240xf32, #tpu.memory_space<hbm>>) dst(%arg9 : memref<10240xf32, #tpu.memory_space<vmem>>)
      tpu.yield
    }) : () -> ()
    "tpu.region"() ({
      %run_scoped3A_49 = tpu.sem_alloc : memref<!tpu.dma_semaphore, #tpu.memory_space<semaphore_mem>>
      tpu.enqueue_dma source(%arg4 : memref<10240xf32, #tpu.memory_space<hbm>>) target(%arg10 : memref<10240xf32, #tpu.memory_space<vmem>>) target_semaphore(%run_scoped3A_49 : memref<!tpu.dma_semaphore, #tpu.memory_space<semaphore_mem>>)
      tpu.wait_dma2 semaphore(%run_scoped3A_49 : memref<!tpu.dma_semaphore, #tpu.memory_space<semaphore_mem>>) src(%arg4 : memref<10240xf32, #tpu.memory_space<hbm>>) dst(%arg10 : memref<10240xf32, #tpu.memory_space<vmem>>)
      tpu.yield
    }) : () -> ()
    "tpu.region"() ({
      %run_scoped3A_49 = tpu.sem_alloc : memref<!tpu.dma_semaphore, #tpu.memory_space<semaphore_mem>>
      %dma_start3A_50 = arith.constant 0 : i32
      %dma_start3A_51 = arith.constant 0 : i32
      %dma_start3A_52 = tpu.memref_slice %arg5[%add3A, %dma_start3A_50, %dma_start3A_51] : memref<32x81x128xi32, #tpu.memory_space<hbm>> -> memref<1x81x128xi32, #tpu.memory_space<hbm>>
      %dma_start3A_53 = tpu.memref_squeeze %dma_start3A_52 : memref<1x81x128xi32, #tpu.memory_space<hbm>> -> memref<81x128xi32, #tpu.memory_space<hbm>>
      %dma_start3A_54 = arith.constant 0 : i32
      %dma_start3A_55 = arith.constant 0 : i32
      %dma_start3A_56 = tpu.memref_slice %arg5[%add3A, %dma_start3A_54, %dma_start3A_55] : memref<32x81x128xi32, #tpu.memory_space<hbm>> -> memref<1x81x128xi32, #tpu.memory_space<hbm>>
      %dma_start3A_57 = tpu.memref_squeeze %dma_start3A_56 : memref<1x81x128xi32, #tpu.memory_space<hbm>> -> memref<81x128xi32, #tpu.memory_space<hbm>>
      tpu.enqueue_dma source(%dma_start3A_57 : memref<81x128xi32, #tpu.memory_space<hbm>>) target(%arg11 : memref<81x128xi32, #tpu.memory_space<vmem>>) target_semaphore(%run_scoped3A_49 : memref<!tpu.dma_semaphore, #tpu.memory_space<semaphore_mem>>)
      %dma_wait3A_58 = arith.constant 0 : i32
      %dma_wait3A_59 = arith.constant 0 : i32
      %dma_wait3A_60 = tpu.memref_slice %arg5[%add3A, %dma_wait3A_58, %dma_wait3A_59] : memref<32x81x128xi32, #tpu.memory_space<hbm>> -> memref<1x81x128xi32, #tpu.memory_space<hbm>>
      %dma_wait3A_61 = tpu.memref_squeeze %dma_wait3A_60 : memref<1x81x128xi32, #tpu.memory_space<hbm>> -> memref<81x128xi32, #tpu.memory_space<hbm>>
      %dma_wait3A_62 = arith.constant 0 : i32
      %dma_wait3A_63 = arith.constant 0 : i32
      %dma_wait3A_64 = tpu.memref_slice %arg5[%add3A, %dma_wait3A_62, %dma_wait3A_63] : memref<32x81x128xi32, #tpu.memory_space<hbm>> -> memref<1x81x128xi32, #tpu.memory_space<hbm>>
      %dma_wait3A_65 = tpu.memref_squeeze %dma_wait3A_64 : memref<1x81x128xi32, #tpu.memory_space<hbm>> -> memref<81x128xi32, #tpu.memory_space<hbm>>
      tpu.wait_dma2 semaphore(%run_scoped3A_49 : memref<!tpu.dma_semaphore, #tpu.memory_space<semaphore_mem>>) src(%dma_wait3A_65 : memref<81x128xi32, #tpu.memory_space<hbm>>) dst(%arg11 : memref<81x128xi32, #tpu.memory_space<vmem>>)
      tpu.yield
    }) : () -> ()
    "tpu.region"() ({
      %run_scoped3A_49 = tpu.sem_alloc : memref<!tpu.dma_semaphore, #tpu.memory_space<semaphore_mem>>
      %dma_start3A_50 = arith.constant 0 : i32
      %dma_start3A_51 = arith.constant 0 : i32
      %dma_start3A_52 = tpu.memref_slice %arg6[%add3A, %dma_start3A_50, %dma_start3A_51] : memref<32x81x128xi32, #tpu.memory_space<hbm>> -> memref<1x81x128xi32, #tpu.memory_space<hbm>>
      %dma_start3A_53 = tpu.memref_squeeze %dma_start3A_52 : memref<1x81x128xi32, #tpu.memory_space<hbm>> -> memref<81x128xi32, #tpu.memory_space<hbm>>
      %dma_start3A_54 = arith.constant 0 : i32
      %dma_start3A_55 = arith.constant 0 : i32
      %dma_start3A_56 = tpu.memref_slice %arg6[%add3A, %dma_start3A_54, %dma_start3A_55] : memref<32x81x128xi32, #tpu.memory_space<hbm>> -> memref<1x81x128xi32, #tpu.memory_space<hbm>>
      %dma_start3A_57 = tpu.memref_squeeze %dma_start3A_56 : memref<1x81x128xi32, #tpu.memory_space<hbm>> -> memref<81x128xi32, #tpu.memory_space<hbm>>
      tpu.enqueue_dma source(%dma_start3A_57 : memref<81x128xi32, #tpu.memory_space<hbm>>) target(%arg12 : memref<81x128xi32, #tpu.memory_space<vmem>>) target_semaphore(%run_scoped3A_49 : memref<!tpu.dma_semaphore, #tpu.memory_space<semaphore_mem>>)
      %dma_wait3A_58 = arith.constant 0 : i32
      %dma_wait3A_59 = arith.constant 0 : i32
      %dma_wait3A_60 = tpu.memref_slice %arg6[%add3A, %dma_wait3A_58, %dma_wait3A_59] : memref<32x81x128xi32, #tpu.memory_space<hbm>> -> memref<1x81x128xi32, #tpu.memory_space<hbm>>
      %dma_wait3A_61 = tpu.memref_squeeze %dma_wait3A_60 : memref<1x81x128xi32, #tpu.memory_space<hbm>> -> memref<81x128xi32, #tpu.memory_space<hbm>>
      %dma_wait3A_62 = arith.constant 0 : i32
      %dma_wait3A_63 = arith.constant 0 : i32
      %dma_wait3A_64 = tpu.memref_slice %arg6[%add3A, %dma_wait3A_62, %dma_wait3A_63] : memref<32x81x128xi32, #tpu.memory_space<hbm>> -> memref<1x81x128xi32, #tpu.memory_space<hbm>>
      %dma_wait3A_65 = tpu.memref_squeeze %dma_wait3A_64 : memref<1x81x128xi32, #tpu.memory_space<hbm>> -> memref<81x128xi32, #tpu.memory_space<hbm>>
      tpu.wait_dma2 semaphore(%run_scoped3A_49 : memref<!tpu.dma_semaphore, #tpu.memory_space<semaphore_mem>>) src(%dma_wait3A_65 : memref<81x128xi32, #tpu.memory_space<hbm>>) dst(%arg12 : memref<81x128xi32, #tpu.memory_space<vmem>>)
      tpu.yield
    }) : () -> ()
    %barrier3A = arith.constant 0 : index
    tpu.barrier barrier_id(%barrier3A)
    %dma_start3A = arith.constant 0 : i32
    %dma_start3A_14 = arith.constant 0 : i32
    %dma_start3A_15 = tpu.memref_slice %arg11[%dma_start3A, %dma_start3A_14] : memref<81x128xi32, #tpu.memory_space<vmem>> -> memref<1x128xi32, #tpu.memory_space<vmem>>
    %dma_start3A_16 = tpu.memref_squeeze %dma_start3A_15 : memref<1x128xi32, #tpu.memory_space<vmem>> -> memref<128xi32, #tpu.memory_space<vmem>>
    %dma_start3A_17 = arith.constant 0 : i32
    %dma_start3A_18 = arith.constant 0 : i32
    %dma_start3A_19 = tpu.memref_slice %arg17[%dma_start3A_17, %dma_start3A_18] : memref<10240x64xbf16, #tpu.memory_space<vmem_shared>> -> memref<10240x64xbf16, #tpu.memory_space<vmem_shared>>
    tpu.enqueue_indirect_dma source(%dma_start3A_19 : memref<10240x64xbf16, #tpu.memory_space<vmem_shared>>) target(%arg13 : memref<128x64xbf16, #tpu.memory_space<vmem>>) offsets(%dma_start3A_16 : memref<128xi32, #tpu.memory_space<vmem>>) semaphore(%arg18 : memref<!tpu.dma_semaphore, #tpu.memory_space<semaphore_mem>>)
    %scan3A_20 = arith.constant 0 : i32
    %scan3A_21 = arith.constant 80 : i32
    %scan3A_22 = arith.addi %scan3A_20, %scan3A_21 : i32
    %scan3A_23 = arith.constant 1 : i32
    scf.for %scan3A_49 = %scan3A_20 to %scan3A_22 step %scan3A_23  : i32 {
      %mul3A_50 = arith.constant 1 : i32
      %mul3A_51 = arith.muli %scan3A_49, %mul3A_50 : i32
      %add3A_52 = arith.constant 0 : i32
      %add3A_53 = arith.addi %add3A_52, %mul3A_51 : i32
      %scan3A_54 = arith.constant 0 : i32
      %scan3A_55 = arith.constant 8 : i32
      %scan3A_56 = arith.addi %scan3A_54, %scan3A_55 : i32
      %scan3A_57 = arith.constant 1 : i32
      scf.for %scan3A_78 = %scan3A_54 to %scan3A_56 step %scan3A_57  : i32 {
        %mul3A_79 = arith.constant 1 : i32
        %mul3A_80 = arith.muli %scan3A_78, %mul3A_79 : i32
        %add3A_81 = arith.constant 0 : i32
        %add3A_82 = arith.addi %add3A_81, %mul3A_80 : i32
        %mul3A_83 = arith.constant 16 : i32
        %mul3A_84 = arith.muli %add3A_82, %mul3A_83 : i32
        %get3A = arith.index_cast %add3A_53 : i32 to index
        %get3A_85 = arith.index_cast %mul3A_84 : i32 to index
        %get3A_86 = tpu.vector_load %arg11[%get3A, %get3A_85] {strides = array<i32>} : memref<81x128xi32, #tpu.memory_space<vmem>>, vector<16xi32>,
        %gather3A = tpu.vector_load_idx %arg9[%get3A_86] : memref<10240xf32, #tpu.memory_space<vmem>>[vector<16xi32>], vector<16xf32>,
        %get3A_87 = arith.index_cast %add3A_53 : i32 to index
        %get3A_88 = arith.index_cast %mul3A_84 : i32 to index
        %get3A_89 = tpu.vector_load %arg12[%get3A_87, %get3A_88] {strides = array<i32>} : memref<81x128xi32, #tpu.memory_space<vmem>>, vector<16xi32>,
        %gather3A_90 = tpu.vector_load_idx %arg10[%get3A_89] : memref<10240xf32, #tpu.memory_space<vmem>>[vector<16xi32>], vector<16xf32>,
        %add3A_91 = arith.addf %gather3A, %gather3A_90 : vector<16xf32>
        %gt3A = arith.constant 0.000000e+00 : f32
        %gt3A_92 = vector.broadcast %gt3A : f32 to vector<16xf32>
        %gt3A_93 = arith.cmpf ogt, %add3A_91, %gt3A_92 : vector<16xf32>
        %mul3A_94 = arith.constant 2.000000e-01 : f32
        %mul3A_95 = vector.broadcast %mul3A_94 : f32 to vector<16xf32>
        %mul3A_96 = arith.mulf %add3A_91, %mul3A_95 : vector<16xf32>
        %select_n3A = arith.select %gt3A_93, %add3A_91, %mul3A_96 : vector<16xi1>, vector<16xf32>
        %exp3A = math.exp %select_n3A : vector<16xf32>
        %swap3A = arith.index_cast %mul3A_84 : i32 to index
        %swap3A_97 = tpu.vector_load %arg15[%swap3A] {strides = array<i32>} : memref<128xf32, #tpu.memory_space<vmem>>, vector<16xf32>,
        tpu.vector_store %arg15[%swap3A], %exp3A {strides = array<i32>} : memref<128xf32, #tpu.memory_space<vmem>>, vector<16xf32>,
      }
      %scan3A_58 = arith.constant 8 : i32
      %dma_wait3A_59 = arith.constant 0 : i32
      %dma_wait3A_60 = tpu.memref_slice %arg11[%add3A_53, %dma_wait3A_59] : memref<81x128xi32, #tpu.memory_space<vmem>> -> memref<1x128xi32, #tpu.memory_space<vmem>>
      %dma_wait3A_61 = tpu.memref_squeeze %dma_wait3A_60 : memref<1x128xi32, #tpu.memory_space<vmem>> -> memref<128xi32, #tpu.memory_space<vmem>>
      %dma_wait3A_62 = arith.constant 0 : i32
      %dma_wait3A_63 = arith.constant 0 : i32
      %dma_wait3A_64 = tpu.memref_slice %arg17[%dma_wait3A_62, %dma_wait3A_63] : memref<10240x64xbf16, #tpu.memory_space<vmem_shared>> -> memref<10240x64xbf16, #tpu.memory_space<vmem_shared>>
      tpu.wait_indirect_dma semaphore(%arg18 : memref<!tpu.dma_semaphore, #tpu.memory_space<semaphore_mem>>) src(%dma_wait3A_64 : memref<10240x64xbf16, #tpu.memory_space<vmem_shared>>) dst(%arg13 : memref<128x64xbf16, #tpu.memory_space<vmem>>)
      %scan3A_65 = arith.constant 0 : i32
      %scan3A_66 = arith.constant 128 : i32
      %scan3A_67 = arith.addi %scan3A_65, %scan3A_66 : i32
      %scan3A_68 = arith.constant 1 : i32
      scf.for %scan3A_78 = %scan3A_65 to %scan3A_67 step %scan3A_68  : i32 {
        %mul3A_79 = arith.constant 1 : i32
        %mul3A_80 = arith.muli %scan3A_78, %mul3A_79 : i32
        %add3A_81 = arith.constant 0 : i32
        %add3A_82 = arith.addi %add3A_81, %mul3A_80 : i32
        %broadcast_in_dim3A = arith.constant 0 : i32
        %broadcast_in_dim3A_83 = vector.broadcast %broadcast_in_dim3A : i32 to vector<16xi32>
        %add3A_84 = vector.broadcast %add3A_82 : i32 to vector<16xi32>
        %add3A_85 = arith.addi %broadcast_in_dim3A_83, %add3A_84 : vector<16xi32>
        %gather3A = tpu.vector_load_idx %arg15[%add3A_85] : memref<128xf32, #tpu.memory_space<vmem>>[vector<16xi32>], vector<16xf32>,
        %get3A = arith.index_cast %add3A_82 : i32 to index
        %get3A_86 = arith.constant 0 : index
        %get3A_87 = tpu.vector_load %arg13[%get3A, %get3A_86] {strides = array<i32>} : memref<128x64xbf16, #tpu.memory_space<vmem>>, vector<32xbf16>,
        %bitcast3A = vector.bitcast %get3A_87 : vector<32xbf16> to vector<16xi32>
        %shift_left3A = arith.constant 16 : i32
        %shift_left3A_88 = vector.broadcast %shift_left3A : i32 to vector<16xi32>
        %shift_left3A_89 = arith.shli %bitcast3A, %shift_left3A_88 : vector<16xi32>
        %bitcast3A_90 = vector.bitcast %shift_left3A_89 : vector<16xi32> to vector<16xf32>
        %and3A = arith.constant -65536 : i32
        %and3A_91 = vector.broadcast %and3A : i32 to vector<16xi32>
        %and3A_92 = arith.andi %bitcast3A, %and3A_91 : vector<16xi32>
        %bitcast3A_93 = vector.bitcast %and3A_92 : vector<16xi32> to vector<16xf32>
        %mul3A_94 = arith.mulf %bitcast3A_90, %gather3A : vector<16xf32>
        %swap3A = arith.index_cast %add3A_82 : i32 to index
        %swap3A_95 = arith.constant 0 : index
        %swap3A_96 = tpu.vector_load %arg14[%swap3A, %swap3A_95] {strides = array<i32>} : memref<128x80xf32, #tpu.memory_space<vmem>>, vector<16xf32>,
        tpu.vector_store %arg14[%swap3A, %swap3A_95], %mul3A_94 {strides = array<i32>} : memref<128x80xf32, #tpu.memory_space<vmem>>, vector<16xf32>,
        %mul3A_97 = arith.mulf %bitcast3A_93, %gather3A : vector<16xf32>
        %swap3A_98 = arith.index_cast %add3A_82 : i32 to index
        %swap3A_99 = arith.constant 16 : index
        %swap3A_100 = tpu.vector_load %arg14[%swap3A_98, %swap3A_99] {strides = array<i32>} : memref<128x80xf32, #tpu.memory_space<vmem>>, vector<16xf32>,
        tpu.vector_store %arg14[%swap3A_98, %swap3A_99], %mul3A_97 {strides = array<i32>} : memref<128x80xf32, #tpu.memory_space<vmem>>, vector<16xf32>,
        %get3A_101 = arith.index_cast %add3A_82 : i32 to index
        %get3A_102 = arith.constant 32 : index
        %get3A_103 = tpu.vector_load %arg13[%get3A_101, %get3A_102] {strides = array<i32>} : memref<128x64xbf16, #tpu.memory_space<vmem>>, vector<32xbf16>,
        %bitcast3A_104 = vector.bitcast %get3A_103 : vector<32xbf16> to vector<16xi32>
        %shift_left3A_105 = arith.constant 16 : i32
        %shift_left3A_106 = vector.broadcast %shift_left3A_105 : i32 to vector<16xi32>
        %shift_left3A_107 = arith.shli %bitcast3A_104, %shift_left3A_106 : vector<16xi32>
        %bitcast3A_108 = vector.bitcast %shift_left3A_107 : vector<16xi32> to vector<16xf32>
        %and3A_109 = arith.constant -65536 : i32
        %and3A_110 = vector.broadcast %and3A_109 : i32 to vector<16xi32>
        %and3A_111 = arith.andi %bitcast3A_104, %and3A_110 : vector<16xi32>
        %bitcast3A_112 = vector.bitcast %and3A_111 : vector<16xi32> to vector<16xf32>
        %mul3A_113 = arith.mulf %bitcast3A_108, %gather3A : vector<16xf32>
        %swap3A_114 = arith.index_cast %add3A_82 : i32 to index
        %swap3A_115 = arith.constant 32 : index
        %swap3A_116 = tpu.vector_load %arg14[%swap3A_114, %swap3A_115] {strides = array<i32>} : memref<128x80xf32, #tpu.memory_space<vmem>>, vector<16xf32>,
        tpu.vector_store %arg14[%swap3A_114, %swap3A_115], %mul3A_113 {strides = array<i32>} : memref<128x80xf32, #tpu.memory_space<vmem>>, vector<16xf32>,
        %mul3A_117 = arith.mulf %bitcast3A_112, %gather3A : vector<16xf32>
        %swap3A_118 = arith.index_cast %add3A_82 : i32 to index
        %swap3A_119 = arith.constant 48 : index
        %swap3A_120 = tpu.vector_load %arg14[%swap3A_118, %swap3A_119] {strides = array<i32>} : memref<128x80xf32, #tpu.memory_space<vmem>>, vector<16xf32>,
        tpu.vector_store %arg14[%swap3A_118, %swap3A_119], %mul3A_117 {strides = array<i32>} : memref<128x80xf32, #tpu.memory_space<vmem>>, vector<16xf32>,
        %swap3A_121 = arith.index_cast %add3A_82 : i32 to index
        %swap3A_122 = arith.constant 64 : index
        %swap3A_123 = tpu.vector_load %arg14[%swap3A_121, %swap3A_122] {strides = array<i32>} : memref<128x80xf32, #tpu.memory_space<vmem>>, vector<16xf32>,
        tpu.vector_store %arg14[%swap3A_121, %swap3A_122], %gather3A {strides = array<i32>} : memref<128x80xf32, #tpu.memory_space<vmem>>, vector<16xf32>,
      }
      %scan3A_69 = arith.constant 128 : i32
      %add3A_70 = arith.constant 1 : i32
      %add3A_71 = arith.addi %add3A_53, %add3A_70 : i32
      %dma_start3A_72 = arith.constant 0 : i32
      %dma_start3A_73 = tpu.memref_slice %arg11[%add3A_71, %dma_start3A_72] : memref<81x128xi32, #tpu.memory_space<vmem>> -> memref<1x128xi32, #tpu.memory_space<vmem>>
      %dma_start3A_74 = tpu.memref_squeeze %dma_start3A_73 : memref<1x128xi32, #tpu.memory_space<vmem>> -> memref<128xi32, #tpu.memory_space<vmem>>
      %dma_start3A_75 = arith.constant 0 : i32
      %dma_start3A_76 = arith.constant 0 : i32
      %dma_start3A_77 = tpu.memref_slice %arg17[%dma_start3A_75, %dma_start3A_76] : memref<10240x64xbf16, #tpu.memory_space<vmem_shared>> -> memref<10240x64xbf16, #tpu.memory_space<vmem_shared>>
      tpu.enqueue_indirect_dma source(%dma_start3A_77 : memref<10240x64xbf16, #tpu.memory_space<vmem_shared>>) target(%arg13 : memref<128x64xbf16, #tpu.memory_space<vmem>>) offsets(%dma_start3A_74 : memref<128xi32, #tpu.memory_space<vmem>>) semaphore(%arg18 : memref<!tpu.dma_semaphore, #tpu.memory_space<semaphore_mem>>)
      "tpu.region"() ({
        %run_scoped3A_78 = tpu.sem_alloc : memref<!tpu.dma_semaphore, #tpu.memory_space<semaphore_mem>>
        %dma_start3A_79 = arith.constant 0 : i32
        %dma_start3A_80 = tpu.memref_slice %arg12[%add3A_53, %dma_start3A_79] : memref<81x128xi32, #tpu.memory_space<vmem>> -> memref<1x128xi32, #tpu.memory_space<vmem>>
        %dma_start3A_81 = tpu.memref_squeeze %dma_start3A_80 : memref<1x128xi32, #tpu.memory_space<vmem>> -> memref<128xi32, #tpu.memory_space<vmem>>
        %dma_start3A_82 = arith.constant 0 : i32
        %dma_start3A_83 = arith.constant 0 : i32
        %dma_start3A_84 = tpu.memref_slice %arg16[%dma_start3A_82, %dma_start3A_83] : memref<10240x80xf32, #tpu.memory_space<vmem_shared>> -> memref<10240x80xf32, #tpu.memory_space<vmem_shared>>
        tpu.enqueue_indirect_dma source(%arg14 : memref<128x80xf32, #tpu.memory_space<vmem>>) target(%dma_start3A_84 : memref<10240x80xf32, #tpu.memory_space<vmem_shared>>) offsets(%dma_start3A_81 : memref<128xi32, #tpu.memory_space<vmem>>) semaphore(%run_scoped3A_78 : memref<!tpu.dma_semaphore, #tpu.memory_space<semaphore_mem>>) {add = true}
        %dma_wait3A_85 = arith.constant 0 : i32
        %dma_wait3A_86 = tpu.memref_slice %arg12[%add3A_53, %dma_wait3A_85] : memref<81x128xi32, #tpu.memory_space<vmem>> -> memref<1x128xi32, #tpu.memory_space<vmem>>
        %dma_wait3A_87 = tpu.memref_squeeze %dma_wait3A_86 : memref<1x128xi32, #tpu.memory_space<vmem>> -> memref<128xi32, #tpu.memory_space<vmem>>
        %dma_wait3A_88 = arith.constant 0 : i32
        %dma_wait3A_89 = arith.constant 0 : i32
        %dma_wait3A_90 = tpu.memref_slice %arg16[%dma_wait3A_88, %dma_wait3A_89] : memref<10240x80xf32, #tpu.memory_space<vmem_shared>> -> memref<10240x80xf32, #tpu.memory_space<vmem_shared>>
        tpu.wait_indirect_dma semaphore(%run_scoped3A_78 : memref<!tpu.dma_semaphore, #tpu.memory_space<semaphore_mem>>) src(%arg14 : memref<128x80xf32, #tpu.memory_space<vmem>>) dst(%dma_wait3A_90 : memref<10240x80xf32, #tpu.memory_space<vmem_shared>>)
        tpu.yield
      }) : () -> ()
    }
    %scan3A_24 = arith.constant 80 : i32
    %scan3A_25 = arith.constant 0 : i32
    %scan3A_26 = arith.constant 8 : i32
    %scan3A_27 = arith.addi %scan3A_25, %scan3A_26 : i32
    %scan3A_28 = arith.constant 1 : i32
    scf.for %scan3A_49 = %scan3A_25 to %scan3A_27 step %scan3A_28  : i32 {
      %mul3A_50 = arith.constant 1 : i32
      %mul3A_51 = arith.muli %scan3A_49, %mul3A_50 : i32
      %add3A_52 = arith.constant 0 : i32
      %add3A_53 = arith.addi %add3A_52, %mul3A_51 : i32
      %mul3A_54 = arith.constant 16 : i32
      %mul3A_55 = arith.muli %add3A_53, %mul3A_54 : i32
      %get3A = arith.constant 80 : i32
      %get3A_56 = arith.index_cast %get3A : i32 to index
      %get3A_57 = arith.index_cast %mul3A_55 : i32 to index
      %get3A_58 = tpu.vector_load %arg11[%get3A_56, %get3A_57] {strides = array<i32>} : memref<81x128xi32, #tpu.memory_space<vmem>>, vector<16xi32>,
      %gather3A = tpu.vector_load_idx %arg9[%get3A_58] : memref<10240xf32, #tpu.memory_space<vmem>>[vector<16xi32>], vector<16xf32>,
      %get3A_59 = arith.constant 80 : i32
      %get3A_60 = arith.index_cast %get3A_59 : i32 to index
      %get3A_61 = arith.index_cast %mul3A_55 : i32 to index
      %get3A_62 = tpu.vector_load %arg12[%get3A_60, %get3A_61] {strides = array<i32>} : memref<81x128xi32, #tpu.memory_space<vmem>>, vector<16xi32>,
      %gather3A_63 = tpu.vector_load_idx %arg10[%get3A_62] : memref<10240xf32, #tpu.memory_space<vmem>>[vector<16xi32>], vector<16xf32>,
      %add3A_64 = arith.addf %gather3A, %gather3A_63 : vector<16xf32>
      %gt3A = arith.constant 0.000000e+00 : f32
      %gt3A_65 = vector.broadcast %gt3A : f32 to vector<16xf32>
      %gt3A_66 = arith.cmpf ogt, %add3A_64, %gt3A_65 : vector<16xf32>
      %mul3A_67 = arith.constant 2.000000e-01 : f32
      %mul3A_68 = vector.broadcast %mul3A_67 : f32 to vector<16xf32>
      %mul3A_69 = arith.mulf %add3A_64, %mul3A_68 : vector<16xf32>
      %select_n3A = arith.select %gt3A_66, %add3A_64, %mul3A_69 : vector<16xi1>, vector<16xf32>
      %exp3A = math.exp %select_n3A : vector<16xf32>
      %swap3A = arith.index_cast %mul3A_55 : i32 to index
      %swap3A_70 = tpu.vector_load %arg15[%swap3A] {strides = array<i32>} : memref<128xf32, #tpu.memory_space<vmem>>, vector<16xf32>,
      tpu.vector_store %arg15[%swap3A], %exp3A {strides = array<i32>} : memref<128xf32, #tpu.memory_space<vmem>>, vector<16xf32>,
    }
    %scan3A_29 = arith.constant 8 : i32
    %dma_wait3A = arith.constant 80 : i32
    %dma_wait3A_30 = arith.constant 0 : i32
    %dma_wait3A_31 = tpu.memref_slice %arg11[%dma_wait3A, %dma_wait3A_30] : memref<81x128xi32, #tpu.memory_space<vmem>> -> memref<1x128xi32, #tpu.memory_space<vmem>>
    %dma_wait3A_32 = tpu.memref_squeeze %dma_wait3A_31 : memref<1x128xi32, #tpu.memory_space<vmem>> -> memref<128xi32, #tpu.memory_space<vmem>>
    %dma_wait3A_33 = arith.constant 0 : i32
    %dma_wait3A_34 = arith.constant 0 : i32
    %dma_wait3A_35 = tpu.memref_slice %arg17[%dma_wait3A_33, %dma_wait3A_34] : memref<10240x64xbf16, #tpu.memory_space<vmem_shared>> -> memref<10240x64xbf16, #tpu.memory_space<vmem_shared>>
    tpu.wait_indirect_dma semaphore(%arg18 : memref<!tpu.dma_semaphore, #tpu.memory_space<semaphore_mem>>) src(%dma_wait3A_35 : memref<10240x64xbf16, #tpu.memory_space<vmem_shared>>) dst(%arg13 : memref<128x64xbf16, #tpu.memory_space<vmem>>)
    %scan3A_36 = arith.constant 0 : i32
    %scan3A_37 = arith.constant 128 : i32
    %scan3A_38 = arith.addi %scan3A_36, %scan3A_37 : i32
    %scan3A_39 = arith.constant 1 : i32
    scf.for %scan3A_49 = %scan3A_36 to %scan3A_38 step %scan3A_39  : i32 {
      %mul3A_50 = arith.constant 1 : i32
      %mul3A_51 = arith.muli %scan3A_49, %mul3A_50 : i32
      %add3A_52 = arith.constant 0 : i32
      %add3A_53 = arith.addi %add3A_52, %mul3A_51 : i32
      %broadcast_in_dim3A = arith.constant 0 : i32
      %broadcast_in_dim3A_54 = vector.broadcast %broadcast_in_dim3A : i32 to vector<16xi32>
      %add3A_55 = vector.broadcast %add3A_53 : i32 to vector<16xi32>
      %add3A_56 = arith.addi %broadcast_in_dim3A_54, %add3A_55 : vector<16xi32>
      %gather3A = tpu.vector_load_idx %arg15[%add3A_56] : memref<128xf32, #tpu.memory_space<vmem>>[vector<16xi32>], vector<16xf32>,
      %get3A = arith.index_cast %add3A_53 : i32 to index
      %get3A_57 = arith.constant 0 : index
      %get3A_58 = tpu.vector_load %arg13[%get3A, %get3A_57] {strides = array<i32>} : memref<128x64xbf16, #tpu.memory_space<vmem>>, vector<32xbf16>,
      %bitcast3A = vector.bitcast %get3A_58 : vector<32xbf16> to vector<16xi32>
      %shift_left3A = arith.constant 16 : i32
      %shift_left3A_59 = vector.broadcast %shift_left3A : i32 to vector<16xi32>
      %shift_left3A_60 = arith.shli %bitcast3A, %shift_left3A_59 : vector<16xi32>
      %bitcast3A_61 = vector.bitcast %shift_left3A_60 : vector<16xi32> to vector<16xf32>
      %and3A = arith.constant -65536 : i32
      %and3A_62 = vector.broadcast %and3A : i32 to vector<16xi32>
      %and3A_63 = arith.andi %bitcast3A, %and3A_62 : vector<16xi32>
      %bitcast3A_64 = vector.bitcast %and3A_63 : vector<16xi32> to vector<16xf32>
      %mul3A_65 = arith.mulf %bitcast3A_61, %gather3A : vector<16xf32>
      %swap3A = arith.index_cast %add3A_53 : i32 to index
      %swap3A_66 = arith.constant 0 : index
      %swap3A_67 = tpu.vector_load %arg14[%swap3A, %swap3A_66] {strides = array<i32>} : memref<128x80xf32, #tpu.memory_space<vmem>>, vector<16xf32>,
      tpu.vector_store %arg14[%swap3A, %swap3A_66], %mul3A_65 {strides = array<i32>} : memref<128x80xf32, #tpu.memory_space<vmem>>, vector<16xf32>,
      %mul3A_68 = arith.mulf %bitcast3A_64, %gather3A : vector<16xf32>
      %swap3A_69 = arith.index_cast %add3A_53 : i32 to index
      %swap3A_70 = arith.constant 16 : index
      %swap3A_71 = tpu.vector_load %arg14[%swap3A_69, %swap3A_70] {strides = array<i32>} : memref<128x80xf32, #tpu.memory_space<vmem>>, vector<16xf32>,
      tpu.vector_store %arg14[%swap3A_69, %swap3A_70], %mul3A_68 {strides = array<i32>} : memref<128x80xf32, #tpu.memory_space<vmem>>, vector<16xf32>,
      %get3A_72 = arith.index_cast %add3A_53 : i32 to index
      %get3A_73 = arith.constant 32 : index
      %get3A_74 = tpu.vector_load %arg13[%get3A_72, %get3A_73] {strides = array<i32>} : memref<128x64xbf16, #tpu.memory_space<vmem>>, vector<32xbf16>,
      %bitcast3A_75 = vector.bitcast %get3A_74 : vector<32xbf16> to vector<16xi32>
      %shift_left3A_76 = arith.constant 16 : i32
      %shift_left3A_77 = vector.broadcast %shift_left3A_76 : i32 to vector<16xi32>
      %shift_left3A_78 = arith.shli %bitcast3A_75, %shift_left3A_77 : vector<16xi32>
      %bitcast3A_79 = vector.bitcast %shift_left3A_78 : vector<16xi32> to vector<16xf32>
      %and3A_80 = arith.constant -65536 : i32
      %and3A_81 = vector.broadcast %and3A_80 : i32 to vector<16xi32>
      %and3A_82 = arith.andi %bitcast3A_75, %and3A_81 : vector<16xi32>
      %bitcast3A_83 = vector.bitcast %and3A_82 : vector<16xi32> to vector<16xf32>
      %mul3A_84 = arith.mulf %bitcast3A_79, %gather3A : vector<16xf32>
      %swap3A_85 = arith.index_cast %add3A_53 : i32 to index
      %swap3A_86 = arith.constant 32 : index
      %swap3A_87 = tpu.vector_load %arg14[%swap3A_85, %swap3A_86] {strides = array<i32>} : memref<128x80xf32, #tpu.memory_space<vmem>>, vector<16xf32>,
      tpu.vector_store %arg14[%swap3A_85, %swap3A_86], %mul3A_84 {strides = array<i32>} : memref<128x80xf32, #tpu.memory_space<vmem>>, vector<16xf32>,
      %mul3A_88 = arith.mulf %bitcast3A_83, %gather3A : vector<16xf32>
      %swap3A_89 = arith.index_cast %add3A_53 : i32 to index
      %swap3A_90 = arith.constant 48 : index
      %swap3A_91 = tpu.vector_load %arg14[%swap3A_89, %swap3A_90] {strides = array<i32>} : memref<128x80xf32, #tpu.memory_space<vmem>>, vector<16xf32>,
      tpu.vector_store %arg14[%swap3A_89, %swap3A_90], %mul3A_88 {strides = array<i32>} : memref<128x80xf32, #tpu.memory_space<vmem>>, vector<16xf32>,
      %swap3A_92 = arith.index_cast %add3A_53 : i32 to index
      %swap3A_93 = arith.constant 64 : index
      %swap3A_94 = tpu.vector_load %arg14[%swap3A_92, %swap3A_93] {strides = array<i32>} : memref<128x80xf32, #tpu.memory_space<vmem>>, vector<16xf32>,
      tpu.vector_store %arg14[%swap3A_92, %swap3A_93], %gather3A {strides = array<i32>} : memref<128x80xf32, #tpu.memory_space<vmem>>, vector<16xf32>,
    }
    %scan3A_40 = arith.constant 128 : i32
    %run_scoped3A = arith.constant 80 : i32
    "tpu.region"() ({
      %run_scoped3A_49 = tpu.sem_alloc : memref<!tpu.dma_semaphore, #tpu.memory_space<semaphore_mem>>
      %dma_start3A_50 = arith.constant 0 : i32
      %dma_start3A_51 = tpu.memref_slice %arg12[%run_scoped3A, %dma_start3A_50] : memref<81x128xi32, #tpu.memory_space<vmem>> -> memref<1x128xi32, #tpu.memory_space<vmem>>
      %dma_start3A_52 = tpu.memref_squeeze %dma_start3A_51 : memref<1x128xi32, #tpu.memory_space<vmem>> -> memref<128xi32, #tpu.memory_space<vmem>>
      %dma_start3A_53 = arith.constant 0 : i32
      %dma_start3A_54 = arith.constant 0 : i32
      %dma_start3A_55 = tpu.memref_slice %arg16[%dma_start3A_53, %dma_start3A_54] : memref<10240x80xf32, #tpu.memory_space<vmem_shared>> -> memref<10240x80xf32, #tpu.memory_space<vmem_shared>>
      tpu.enqueue_indirect_dma source(%arg14 : memref<128x80xf32, #tpu.memory_space<vmem>>) target(%dma_start3A_55 : memref<10240x80xf32, #tpu.memory_space<vmem_shared>>) offsets(%dma_start3A_52 : memref<128xi32, #tpu.memory_space<vmem>>) semaphore(%run_scoped3A_49 : memref<!tpu.dma_semaphore, #tpu.memory_space<semaphore_mem>>) {add = true}
      %dma_wait3A_56 = arith.constant 0 : i32
      %dma_wait3A_57 = tpu.memref_slice %arg12[%run_scoped3A, %dma_wait3A_56] : memref<81x128xi32, #tpu.memory_space<vmem>> -> memref<1x128xi32, #tpu.memory_space<vmem>>
      %dma_wait3A_58 = tpu.memref_squeeze %dma_wait3A_57 : memref<1x128xi32, #tpu.memory_space<vmem>> -> memref<128xi32, #tpu.memory_space<vmem>>
      %dma_wait3A_59 = arith.constant 0 : i32
      %dma_wait3A_60 = arith.constant 0 : i32
      %dma_wait3A_61 = tpu.memref_slice %arg16[%dma_wait3A_59, %dma_wait3A_60] : memref<10240x80xf32, #tpu.memory_space<vmem_shared>> -> memref<10240x80xf32, #tpu.memory_space<vmem_shared>>
      tpu.wait_indirect_dma semaphore(%run_scoped3A_49 : memref<!tpu.dma_semaphore, #tpu.memory_space<semaphore_mem>>) src(%arg14 : memref<128x80xf32, #tpu.memory_space<vmem>>) dst(%dma_wait3A_61 : memref<10240x80xf32, #tpu.memory_space<vmem_shared>>)
      tpu.yield
    }) : () -> ()
    %barrier3A_41 = arith.constant 0 : index
    tpu.barrier barrier_id(%barrier3A_41)
    %eq3A = arith.constant 0 : i32
    %eq3A_42 = arith.cmpi eq, %arg0, %eq3A : i32
    %convert_element_type3A = arith.extui %eq3A_42 : i1 to i32
    %cond3A = arith.constant 0 : i32
    %cond3A_43 = arith.cmpi ne, %convert_element_type3A, %cond3A : i32
    scf.if %cond3A_43 {
      %mul3A_49 = arith.constant 640 : i32
      %mul3A_50 = arith.muli %arg1, %mul3A_49 : i32
      %mul3A_51 = arith.constant 640 : i32
      %mul3A_52 = arith.muli %arg1, %mul3A_51 : i32
      "tpu.region"() ({
        %run_scoped3A_53 = tpu.sem_alloc : memref<!tpu.dma_semaphore, #tpu.memory_space<semaphore_mem>>
        %dma_start3A_54 = arith.constant 0 : i32
        %dma_start3A_55 = tpu.memref_slice %arg7[%mul3A_52, %dma_start3A_54] : memref<10240x80xf32, #tpu.memory_space<hbm>> -> memref<640x80xf32, #tpu.memory_space<hbm>>
        %dma_start3A_56 = arith.constant 0 : i32
        %dma_start3A_57 = tpu.memref_slice %arg16[%mul3A_50, %dma_start3A_56] : memref<10240x80xf32, #tpu.memory_space<vmem_shared>> -> memref<640x80xf32, #tpu.memory_space<vmem_shared>>
        tpu.enqueue_dma source(%dma_start3A_57 : memref<640x80xf32, #tpu.memory_space<vmem_shared>>) target(%dma_start3A_55 : memref<640x80xf32, #tpu.memory_space<hbm>>) target_semaphore(%run_scoped3A_53 : memref<!tpu.dma_semaphore, #tpu.memory_space<semaphore_mem>>)
        %dma_wait3A_58 = arith.constant 0 : i32
        %dma_wait3A_59 = tpu.memref_slice %arg7[%mul3A_52, %dma_wait3A_58] : memref<10240x80xf32, #tpu.memory_space<hbm>> -> memref<640x80xf32, #tpu.memory_space<hbm>>
        %dma_wait3A_60 = arith.constant 0 : i32
        %dma_wait3A_61 = tpu.memref_slice %arg16[%mul3A_50, %dma_wait3A_60] : memref<10240x80xf32, #tpu.memory_space<vmem_shared>> -> memref<640x80xf32, #tpu.memory_space<vmem_shared>>
        tpu.wait_dma2 semaphore(%run_scoped3A_53 : memref<!tpu.dma_semaphore, #tpu.memory_space<semaphore_mem>>) src(%dma_wait3A_61 : memref<640x80xf32, #tpu.memory_space<vmem_shared>>) dst(%dma_wait3A_59 : memref<640x80xf32, #tpu.memory_space<hbm>>)
        tpu.yield
      }) : () -> ()
    } else {
    }
    %eq3A_44 = arith.constant 1 : i32
    %eq3A_45 = arith.cmpi eq, %arg0, %eq3A_44 : i32
    %convert_element_type3A_46 = arith.extui %eq3A_45 : i1 to i32
    %cond3A_47 = arith.constant 0 : i32
    %cond3A_48 = arith.cmpi ne, %convert_element_type3A_46, %cond3A_47 : i32
    scf.if %cond3A_48 {
      %mul3A_49 = arith.constant 640 : i32
      %mul3A_50 = arith.muli %arg1, %mul3A_49 : i32
      %mul3A_51 = arith.constant 640 : i32
      %mul3A_52 = arith.muli %arg1, %mul3A_51 : i32
      "tpu.region"() ({
        %run_scoped3A_53 = tpu.sem_alloc : memref<!tpu.dma_semaphore, #tpu.memory_space<semaphore_mem>>
        %dma_start3A_54 = arith.constant 0 : i32
        %dma_start3A_55 = tpu.memref_slice %arg8[%mul3A_52, %dma_start3A_54] : memref<10240x80xf32, #tpu.memory_space<hbm>> -> memref<640x80xf32, #tpu.memory_space<hbm>>
        %dma_start3A_56 = arith.constant 0 : i32
        %dma_start3A_57 = tpu.memref_slice %arg16[%mul3A_50, %dma_start3A_56] : memref<10240x80xf32, #tpu.memory_space<vmem_shared>> -> memref<640x80xf32, #tpu.memory_space<vmem_shared>>
        tpu.enqueue_dma source(%dma_start3A_57 : memref<640x80xf32, #tpu.memory_space<vmem_shared>>) target(%dma_start3A_55 : memref<640x80xf32, #tpu.memory_space<hbm>>) target_semaphore(%run_scoped3A_53 : memref<!tpu.dma_semaphore, #tpu.memory_space<semaphore_mem>>)
        %dma_wait3A_58 = arith.constant 0 : i32
        %dma_wait3A_59 = tpu.memref_slice %arg8[%mul3A_52, %dma_wait3A_58] : memref<10240x80xf32, #tpu.memory_space<hbm>> -> memref<640x80xf32, #tpu.memory_space<hbm>>
        %dma_wait3A_60 = arith.constant 0 : i32
        %dma_wait3A_61 = tpu.memref_slice %arg16[%mul3A_50, %dma_wait3A_60] : memref<10240x80xf32, #tpu.memory_space<vmem_shared>> -> memref<640x80xf32, #tpu.memory_space<vmem_shared>>
        tpu.wait_dma2 semaphore(%run_scoped3A_53 : memref<!tpu.dma_semaphore, #tpu.memory_space<semaphore_mem>>) src(%dma_wait3A_61 : memref<640x80xf32, #tpu.memory_space<vmem_shared>>) dst(%dma_wait3A_59 : memref<640x80xf32, #tpu.memory_space<hbm>>)
        tpu.yield
      }) : () -> ()
    } else {
    }
    return
  }
}

#map = affine_map<(d0, d1) -> (0, 0)>
#map1 = affine_map<(d0, d1) -> (0)>
#map2 = affine_map<(d0, d1) -> (0, 0, 0)>
module attributes {stable_mosaic.version = 14 : i64} {
  func.func @_edge_body(%arg0: i32, %arg1: i32, %arg2: memref<10240x64xbf16, #tpu.memory_space<hbm>>, %arg3: memref<10240xf32, #tpu.memory_space<hbm>>, %arg4: memref<10240xf32, #tpu.memory_space<hbm>>, %arg5: memref<32x81x128xi32, #tpu.memory_space<hbm>>, %arg6: memref<32x81x128xi32, #tpu.memory_space<hbm>>, %arg7: memref<10240x80xf32, #tpu.memory_space<hbm>>, %arg8: memref<10240x80xf32, #tpu.memory_space<hbm>>, %arg9: memref<10240xf32, #tpu.memory_space<vmem>>, %arg10: memref<10240xf32, #tpu.memory_space<vmem>>, %arg11: memref<81x128xi32, #tpu.memory_space<vmem>>, %arg12: memref<81x128xi32, #tpu.memory_space<vmem>>, %arg13: memref<128x64xbf16, #tpu.memory_space<vmem>>, %arg14: memref<128x80xf32, #tpu.memory_space<vmem>>, %arg15: memref<128xf32, #tpu.memory_space<vmem>>, %arg16: memref<10240x80xf32, #tpu.memory_space<vmem_shared>>, %arg17: memref<10240x64xbf16, #tpu.memory_space<vmem_shared>>, %arg18: memref<!tpu.dma_semaphore, #tpu.memory_space<semaphore_mem>>) attributes {dimension_semantics = [#tpu.dimension_semantics<core_parallel>, #tpu.dimension_semantics<subcore_parallel>], iteration_bounds = array<i64: 2, 16>, scalar_prefetch = 0 : i64, scratch_operands = 10 : i64, tpu.core_type = #tpu.core_type<sc_vector_subcore>, window_params = [{transform_indices = #map}, {transform_indices = #map1}, {transform_indices = #map1}, {transform_indices = #map2}, {transform_indices = #map2}, {transform_indices = #map}, {transform_indices = #map}]} {
    %mul3A = arith.constant 16 : i32
    %mul3A_0 = arith.muli %arg0, %mul3A : i32
    %add3A = arith.addi %mul3A_0, %arg1 : i32
    %scan3A = arith.constant 0 : i32
    %scan3A_1 = arith.constant 128 : i32
    %scan3A_2 = arith.addi %scan3A, %scan3A_1 : i32
    %scan3A_3 = arith.constant 1 : i32
    scf.for %scan3A_49 = %scan3A to %scan3A_2 step %scan3A_3  : i32 {
      %mul3A_50 = arith.constant 1 : i32
      %mul3A_51 = arith.muli %scan3A_49, %mul3A_50 : i32
      %add3A_52 = arith.constant 0 : i32
      %add3A_53 = arith.addi %add3A_52, %mul3A_51 : i32
      %broadcast_in_dim3A = arith.constant 0.000000e+00 : f32
      %broadcast_in_dim3A_54 = vector.broadcast %broadcast_in_dim3A : f32 to vector<16xf32>
      %swap3A = arith.index_cast %add3A_53 : i32 to index
      %swap3A_55 = arith.constant 0 : index
      %swap3A_56 = tpu.vector_load %arg14[%swap3A, %swap3A_55] {strides = array<i32>} : memref<128x80xf32, #tpu.memory_space<vmem>>, vector<16xf32>,
      tpu.vector_store %arg14[%swap3A, %swap3A_55], %broadcast_in_dim3A_54 {strides = array<i32>} : memref<128x80xf32, #tpu.memory_space<vmem>>, vector<16xf32>,
      %broadcast_in_dim3A_57 = arith.constant 0.000000e+00 : f32
      %broadcast_in_dim3A_58 = vector.broadcast %broadcast_in_dim3A_57 : f32 to vector<16xf32>
      %swap3A_59 = arith.index_cast %add3A_53 : i32 to index
      %swap3A_60 = arith.constant 16 : index
      %swap3A_61 = tpu.vector_load %arg14[%swap3A_59, %swap3A_60] {strides = array<i32>} : memref<128x80xf32, #tpu.memory_space<vmem>>, vector<16xf32>,
      tpu.vector_store %arg14[%swap3A_59, %swap3A_60], %broadcast_in_dim3A_58 {strides = array<i32>} : memref<128x80xf32, #tpu.memory_space<vmem>>, vector<16xf32>,
      %broadcast_in_dim3A_62 = arith.constant 0.000000e+00 : f32
      %broadcast_in_dim3A_63 = vector.broadcast %broadcast_in_dim3A_62 : f32 to vector<16xf32>
      %swap3A_64 = arith.index_cast %add3A_53 : i32 to index
      %swap3A_65 = arith.constant 32 : index
      %swap3A_66 = tpu.vector_load %arg14[%swap3A_64, %swap3A_65] {strides = array<i32>} : memref<128x80xf32, #tpu.memory_space<vmem>>, vector<16xf32>,
      tpu.vector_store %arg14[%swap3A_64, %swap3A_65], %broadcast_in_dim3A_63 {strides = array<i32>} : memref<128x80xf32, #tpu.memory_space<vmem>>, vector<16xf32>,
      %broadcast_in_dim3A_67 = arith.constant 0.000000e+00 : f32
      %broadcast_in_dim3A_68 = vector.broadcast %broadcast_in_dim3A_67 : f32 to vector<16xf32>
      %swap3A_69 = arith.index_cast %add3A_53 : i32 to index
      %swap3A_70 = arith.constant 48 : index
      %swap3A_71 = tpu.vector_load %arg14[%swap3A_69, %swap3A_70] {strides = array<i32>} : memref<128x80xf32, #tpu.memory_space<vmem>>, vector<16xf32>,
      tpu.vector_store %arg14[%swap3A_69, %swap3A_70], %broadcast_in_dim3A_68 {strides = array<i32>} : memref<128x80xf32, #tpu.memory_space<vmem>>, vector<16xf32>,
      %broadcast_in_dim3A_72 = arith.constant 0.000000e+00 : f32
      %broadcast_in_dim3A_73 = vector.broadcast %broadcast_in_dim3A_72 : f32 to vector<16xf32>
      %swap3A_74 = arith.index_cast %add3A_53 : i32 to index
      %swap3A_75 = arith.constant 64 : index
      %swap3A_76 = tpu.vector_load %arg14[%swap3A_74, %swap3A_75] {strides = array<i32>} : memref<128x80xf32, #tpu.memory_space<vmem>>, vector<16xf32>,
      tpu.vector_store %arg14[%swap3A_74, %swap3A_75], %broadcast_in_dim3A_73 {strides = array<i32>} : memref<128x80xf32, #tpu.memory_space<vmem>>, vector<16xf32>,
    }
    %scan3A_4 = arith.constant 128 : i32
    %scan3A_5 = arith.constant 0 : i32
    %scan3A_6 = arith.constant 5 : i32
    %scan3A_7 = arith.addi %scan3A_5, %scan3A_6 : i32
    %scan3A_8 = arith.constant 1 : i32
    scf.for %scan3A_49 = %scan3A_5 to %scan3A_7 step %scan3A_8  : i32 {
      %mul3A_50 = arith.constant 1 : i32
      %mul3A_51 = arith.muli %scan3A_49, %mul3A_50 : i32
      %add3A_52 = arith.constant 0 : i32
      %add3A_53 = arith.addi %add3A_52, %mul3A_51 : i32
      %mul3A_54 = arith.constant 640 : i32
      %mul3A_55 = arith.muli %arg1, %mul3A_54 : i32
      %mul3A_56 = arith.constant 128 : i32
      %mul3A_57 = arith.muli %add3A_53, %mul3A_56 : i32
      %add3A_58 = arith.addi %mul3A_55, %mul3A_57 : i32
      "tpu.region"() ({
        %run_scoped3A_59 = tpu.sem_alloc : memref<!tpu.dma_semaphore, #tpu.memory_space<semaphore_mem>>
        %dma_start3A_60 = arith.constant 0 : i32
        %dma_start3A_61 = tpu.memref_slice %arg16[%add3A_58, %dma_start3A_60] : memref<10240x80xf32, #tpu.memory_space<vmem_shared>> -> memref<128x80xf32, #tpu.memory_space<vmem_shared>>
        %dma_start3A_62 = arith.constant 0 : i32
        %dma_start3A_63 = tpu.memref_slice %arg16[%add3A_58, %dma_start3A_62] : memref<10240x80xf32, #tpu.memory_space<vmem_shared>> -> memref<128x80xf32, #tpu.memory_space<vmem_shared>>
        tpu.enqueue_dma source(%arg14 : memref<128x80xf32, #tpu.memory_space<vmem>>) target(%dma_start3A_63 : memref<128x80xf32, #tpu.memory_space<vmem_shared>>) target_semaphore(%run_scoped3A_59 : memref<!tpu.dma_semaphore, #tpu.memory_space<semaphore_mem>>)
        %dma_wait3A_64 = arith.constant 0 : i32
        %dma_wait3A_65 = tpu.memref_slice %arg16[%add3A_58, %dma_wait3A_64] : memref<10240x80xf32, #tpu.memory_space<vmem_shared>> -> memref<128x80xf32, #tpu.memory_space<vmem_shared>>
        %dma_wait3A_66 = arith.constant 0 : i32
        %dma_wait3A_67 = tpu.memref_slice %arg16[%add3A_58, %dma_wait3A_66] : memref<10240x80xf32, #tpu.memory_space<vmem_shared>> -> memref<128x80xf32, #tpu.memory_space<vmem_shared>>
        tpu.wait_dma2 semaphore(%run_scoped3A_59 : memref<!tpu.dma_semaphore, #tpu.memory_space<semaphore_mem>>) src(%arg14 : memref<128x80xf32, #tpu.memory_space<vmem>>) dst(%dma_wait3A_67 : memref<128x80xf32, #tpu.memory_space<vmem_shared>>)
        tpu.yield
      }) : () -> ()
    }
    %scan3A_9 = arith.constant 5 : i32
    %mul3A_10 = arith.constant 640 : i32
    %mul3A_11 = arith.muli %arg1, %mul3A_10 : i32
    %mul3A_12 = arith.constant 640 : i32
    %mul3A_13 = arith.muli %arg1, %mul3A_12 : i32
    "tpu.region"() ({
      %run_scoped3A_49 = tpu.sem_alloc : memref<!tpu.dma_semaphore, #tpu.memory_space<semaphore_mem>>
      %dma_start3A_50 = arith.constant 0 : i32
      %dma_start3A_51 = tpu.memref_slice %arg17[%mul3A_13, %dma_start3A_50] : memref<10240x64xbf16, #tpu.memory_space<vmem_shared>> -> memref<640x64xbf16, #tpu.memory_space<vmem_shared>>
      %dma_start3A_52 = arith.constant 0 : i32
      %dma_start3A_53 = tpu.memref_slice %arg2[%mul3A_11, %dma_start3A_52] : memref<10240x64xbf16, #tpu.memory_space<hbm>> -> memref<640x64xbf16, #tpu.memory_space<hbm>>
      tpu.enqueue_dma source(%dma_start3A_53 : memref<640x64xbf16, #tpu.memory_space<hbm>>) target(%dma_start3A_51 : memref<640x64xbf16, #tpu.memory_space<vmem_shared>>) target_semaphore(%run_scoped3A_49 : memref<!tpu.dma_semaphore, #tpu.memory_space<semaphore_mem>>)
      %dma_wait3A_54 = arith.constant 0 : i32
      %dma_wait3A_55 = tpu.memref_slice %arg17[%mul3A_13, %dma_wait3A_54] : memref<10240x64xbf16, #tpu.memory_space<vmem_shared>> -> memref<640x64xbf16, #tpu.memory_space<vmem_shared>>
      %dma_wait3A_56 = arith.constant 0 : i32
      %dma_wait3A_57 = tpu.memref_slice %arg2[%mul3A_11, %dma_wait3A_56] : memref<10240x64xbf16, #tpu.memory_space<hbm>> -> memref<640x64xbf16, #tpu.memory_space<hbm>>
      tpu.wait_dma2 semaphore(%run_scoped3A_49 : memref<!tpu.dma_semaphore, #tpu.memory_space<semaphore_mem>>) src(%dma_wait3A_57 : memref<640x64xbf16, #tpu.memory_space<hbm>>) dst(%dma_wait3A_55 : memref<640x64xbf16, #tpu.memory_space<vmem_shared>>)
      tpu.yield
    }) : () -> ()
    "tpu.region"() ({
      %run_scoped3A_49 = tpu.sem_alloc : memref<!tpu.dma_semaphore, #tpu.memory_space<semaphore_mem>>
      tpu.enqueue_dma source(%arg3 : memref<10240xf32, #tpu.memory_space<hbm>>) target(%arg9 : memref<10240xf32, #tpu.memory_space<vmem>>) target_semaphore(%run_scoped3A_49 : memref<!tpu.dma_semaphore, #tpu.memory_space<semaphore_mem>>)
      tpu.wait_dma2 semaphore(%run_scoped3A_49 : memref<!tpu.dma_semaphore, #tpu.memory_space<semaphore_mem>>) src(%arg3 : memref<10240xf32, #tpu.memory_space<hbm>>) dst(%arg9 : memref<10240xf32, #tpu.memory_space<vmem>>)
      tpu.yield
    }) : () -> ()
    "tpu.region"() ({
      %run_scoped3A_49 = tpu.sem_alloc : memref<!tpu.dma_semaphore, #tpu.memory_space<semaphore_mem>>
      tpu.enqueue_dma source(%arg4 : memref<10240xf32, #tpu.memory_space<hbm>>) target(%arg10 : memref<10240xf32, #tpu.memory_space<vmem>>) target_semaphore(%run_scoped3A_49 : memref<!tpu.dma_semaphore, #tpu.memory_space<semaphore_mem>>)
      tpu.wait_dma2 semaphore(%run_scoped3A_49 : memref<!tpu.dma_semaphore, #tpu.memory_space<semaphore_mem>>) src(%arg4 : memref<10240xf32, #tpu.memory_space<hbm>>) dst(%arg10 : memref<10240xf32, #tpu.memory_space<vmem>>)
      tpu.yield
    }) : () -> ()
    "tpu.region"() ({
      %run_scoped3A_49 = tpu.sem_alloc : memref<!tpu.dma_semaphore, #tpu.memory_space<semaphore_mem>>
      %dma_start3A_50 = arith.constant 0 : i32
      %dma_start3A_51 = arith.constant 0 : i32
      %dma_start3A_52 = tpu.memref_slice %arg5[%add3A, %dma_start3A_50, %dma_start3A_51] : memref<32x81x128xi32, #tpu.memory_space<hbm>> -> memref<1x81x128xi32, #tpu.memory_space<hbm>>
      %dma_start3A_53 = tpu.memref_squeeze %dma_start3A_52 : memref<1x81x128xi32, #tpu.memory_space<hbm>> -> memref<81x128xi32, #tpu.memory_space<hbm>>
      %dma_start3A_54 = arith.constant 0 : i32
      %dma_start3A_55 = arith.constant 0 : i32
      %dma_start3A_56 = tpu.memref_slice %arg5[%add3A, %dma_start3A_54, %dma_start3A_55] : memref<32x81x128xi32, #tpu.memory_space<hbm>> -> memref<1x81x128xi32, #tpu.memory_space<hbm>>
      %dma_start3A_57 = tpu.memref_squeeze %dma_start3A_56 : memref<1x81x128xi32, #tpu.memory_space<hbm>> -> memref<81x128xi32, #tpu.memory_space<hbm>>
      tpu.enqueue_dma source(%dma_start3A_57 : memref<81x128xi32, #tpu.memory_space<hbm>>) target(%arg11 : memref<81x128xi32, #tpu.memory_space<vmem>>) target_semaphore(%run_scoped3A_49 : memref<!tpu.dma_semaphore, #tpu.memory_space<semaphore_mem>>)
      %dma_wait3A_58 = arith.constant 0 : i32
      %dma_wait3A_59 = arith.constant 0 : i32
      %dma_wait3A_60 = tpu.memref_slice %arg5[%add3A, %dma_wait3A_58, %dma_wait3A_59] : memref<32x81x128xi32, #tpu.memory_space<hbm>> -> memref<1x81x128xi32, #tpu.memory_space<hbm>>
      %dma_wait3A_61 = tpu.memref_squeeze %dma_wait3A_60 : memref<1x81x128xi32, #tpu.memory_space<hbm>> -> memref<81x128xi32, #tpu.memory_space<hbm>>
      %dma_wait3A_62 = arith.constant 0 : i32
      %dma_wait3A_63 = arith.constant 0 : i32
      %dma_wait3A_64 = tpu.memref_slice %arg5[%add3A, %dma_wait3A_62, %dma_wait3A_63] : memref<32x81x128xi32, #tpu.memory_space<hbm>> -> memref<1x81x128xi32, #tpu.memory_space<hbm>>
      %dma_wait3A_65 = tpu.memref_squeeze %dma_wait3A_64 : memref<1x81x128xi32, #tpu.memory_space<hbm>> -> memref<81x128xi32, #tpu.memory_space<hbm>>
      tpu.wait_dma2 semaphore(%run_scoped3A_49 : memref<!tpu.dma_semaphore, #tpu.memory_space<semaphore_mem>>) src(%dma_wait3A_65 : memref<81x128xi32, #tpu.memory_space<hbm>>) dst(%arg11 : memref<81x128xi32, #tpu.memory_space<vmem>>)
      tpu.yield
    }) : () -> ()
    "tpu.region"() ({
      %run_scoped3A_49 = tpu.sem_alloc : memref<!tpu.dma_semaphore, #tpu.memory_space<semaphore_mem>>
      %dma_start3A_50 = arith.constant 0 : i32
      %dma_start3A_51 = arith.constant 0 : i32
      %dma_start3A_52 = tpu.memref_slice %arg6[%add3A, %dma_start3A_50, %dma_start3A_51] : memref<32x81x128xi32, #tpu.memory_space<hbm>> -> memref<1x81x128xi32, #tpu.memory_space<hbm>>
      %dma_start3A_53 = tpu.memref_squeeze %dma_start3A_52 : memref<1x81x128xi32, #tpu.memory_space<hbm>> -> memref<81x128xi32, #tpu.memory_space<hbm>>
      %dma_start3A_54 = arith.constant 0 : i32
      %dma_start3A_55 = arith.constant 0 : i32
      %dma_start3A_56 = tpu.memref_slice %arg6[%add3A, %dma_start3A_54, %dma_start3A_55] : memref<32x81x128xi32, #tpu.memory_space<hbm>> -> memref<1x81x128xi32, #tpu.memory_space<hbm>>
      %dma_start3A_57 = tpu.memref_squeeze %dma_start3A_56 : memref<1x81x128xi32, #tpu.memory_space<hbm>> -> memref<81x128xi32, #tpu.memory_space<hbm>>
      tpu.enqueue_dma source(%dma_start3A_57 : memref<81x128xi32, #tpu.memory_space<hbm>>) target(%arg12 : memref<81x128xi32, #tpu.memory_space<vmem>>) target_semaphore(%run_scoped3A_49 : memref<!tpu.dma_semaphore, #tpu.memory_space<semaphore_mem>>)
      %dma_wait3A_58 = arith.constant 0 : i32
      %dma_wait3A_59 = arith.constant 0 : i32
      %dma_wait3A_60 = tpu.memref_slice %arg6[%add3A, %dma_wait3A_58, %dma_wait3A_59] : memref<32x81x128xi32, #tpu.memory_space<hbm>> -> memref<1x81x128xi32, #tpu.memory_space<hbm>>
      %dma_wait3A_61 = tpu.memref_squeeze %dma_wait3A_60 : memref<1x81x128xi32, #tpu.memory_space<hbm>> -> memref<81x128xi32, #tpu.memory_space<hbm>>
      %dma_wait3A_62 = arith.constant 0 : i32
      %dma_wait3A_63 = arith.constant 0 : i32
      %dma_wait3A_64 = tpu.memref_slice %arg6[%add3A, %dma_wait3A_62, %dma_wait3A_63] : memref<32x81x128xi32, #tpu.memory_space<hbm>> -> memref<1x81x128xi32, #tpu.memory_space<hbm>>
      %dma_wait3A_65 = tpu.memref_squeeze %dma_wait3A_64 : memref<1x81x128xi32, #tpu.memory_space<hbm>> -> memref<81x128xi32, #tpu.memory_space<hbm>>
      tpu.wait_dma2 semaphore(%run_scoped3A_49 : memref<!tpu.dma_semaphore, #tpu.memory_space<semaphore_mem>>) src(%dma_wait3A_65 : memref<81x128xi32, #tpu.memory_space<hbm>>) dst(%arg12 : memref<81x128xi32, #tpu.memory_space<vmem>>)
      tpu.yield
    }) : () -> ()
    %barrier3A = arith.constant 0 : index
    tpu.barrier barrier_id(%barrier3A)
    %dma_start3A = arith.constant 0 : i32
    %dma_start3A_14 = arith.constant 0 : i32
    %dma_start3A_15 = tpu.memref_slice %arg11[%dma_start3A, %dma_start3A_14] : memref<81x128xi32, #tpu.memory_space<vmem>> -> memref<1x128xi32, #tpu.memory_space<vmem>>
    %dma_start3A_16 = tpu.memref_squeeze %dma_start3A_15 : memref<1x128xi32, #tpu.memory_space<vmem>> -> memref<128xi32, #tpu.memory_space<vmem>>
    %dma_start3A_17 = arith.constant 0 : i32
    %dma_start3A_18 = arith.constant 0 : i32
    %dma_start3A_19 = tpu.memref_slice %arg17[%dma_start3A_17, %dma_start3A_18] : memref<10240x64xbf16, #tpu.memory_space<vmem_shared>> -> memref<10240x64xbf16, #tpu.memory_space<vmem_shared>>
    tpu.enqueue_indirect_dma source(%dma_start3A_19 : memref<10240x64xbf16, #tpu.memory_space<vmem_shared>>) target(%arg13 : memref<128x64xbf16, #tpu.memory_space<vmem>>) offsets(%dma_start3A_16 : memref<128xi32, #tpu.memory_space<vmem>>) semaphore(%arg18 : memref<!tpu.dma_semaphore, #tpu.memory_space<semaphore_mem>>)
    %scan3A_20 = arith.constant 0 : i32
    %scan3A_21 = arith.constant 80 : i32
    %scan3A_22 = arith.addi %scan3A_20, %scan3A_21 : i32
    %scan3A_23 = arith.constant 1 : i32
    scf.for %scan3A_49 = %scan3A_20 to %scan3A_22 step %scan3A_23  : i32 {
      %mul3A_50 = arith.constant 1 : i32
      %mul3A_51 = arith.muli %scan3A_49, %mul3A_50 : i32
      %add3A_52 = arith.constant 0 : i32
      %add3A_53 = arith.addi %add3A_52, %mul3A_51 : i32
      %scan3A_54 = arith.constant 0 : i32
      %scan3A_55 = arith.constant 8 : i32
      %scan3A_56 = arith.addi %scan3A_54, %scan3A_55 : i32
      %scan3A_57 = arith.constant 1 : i32
      scf.for %scan3A_78 = %scan3A_54 to %scan3A_56 step %scan3A_57  : i32 {
        %mul3A_79 = arith.constant 1 : i32
        %mul3A_80 = arith.muli %scan3A_78, %mul3A_79 : i32
        %add3A_81 = arith.constant 0 : i32
        %add3A_82 = arith.addi %add3A_81, %mul3A_80 : i32
        %mul3A_83 = arith.constant 16 : i32
        %mul3A_84 = arith.muli %add3A_82, %mul3A_83 : i32
        %get3A = arith.index_cast %add3A_53 : i32 to index
        %get3A_85 = arith.index_cast %mul3A_84 : i32 to index
        %get3A_86 = tpu.vector_load %arg11[%get3A, %get3A_85] {strides = array<i32>} : memref<81x128xi32, #tpu.memory_space<vmem>>, vector<16xi32>,
        %gather3A = tpu.vector_load_idx %arg9[%get3A_86] : memref<10240xf32, #tpu.memory_space<vmem>>[vector<16xi32>], vector<16xf32>,
        %get3A_87 = arith.index_cast %add3A_53 : i32 to index
        %get3A_88 = arith.index_cast %mul3A_84 : i32 to index
        %get3A_89 = tpu.vector_load %arg12[%get3A_87, %get3A_88] {strides = array<i32>} : memref<81x128xi32, #tpu.memory_space<vmem>>, vector<16xi32>,
        %gather3A_90 = tpu.vector_load_idx %arg10[%get3A_89] : memref<10240xf32, #tpu.memory_space<vmem>>[vector<16xi32>], vector<16xf32>,
        %add3A_91 = arith.addf %gather3A, %gather3A_90 : vector<16xf32>
        %gt3A = arith.constant 0.000000e+00 : f32
        %gt3A_92 = vector.broadcast %gt3A : f32 to vector<16xf32>
        %gt3A_93 = arith.cmpf ogt, %add3A_91, %gt3A_92 : vector<16xf32>
        %mul3A_94 = arith.constant 2.000000e-01 : f32
        %mul3A_95 = vector.broadcast %mul3A_94 : f32 to vector<16xf32>
        %mul3A_96 = arith.mulf %add3A_91, %mul3A_95 : vector<16xf32>
        %select_n3A = arith.select %gt3A_93, %add3A_91, %mul3A_96 : vector<16xi1>, vector<16xf32>
        %exp3A = math.exp %select_n3A : vector<16xf32>
        %swap3A = arith.index_cast %mul3A_84 : i32 to index
        %swap3A_97 = tpu.vector_load %arg15[%swap3A] {strides = array<i32>} : memref<128xf32, #tpu.memory_space<vmem>>, vector<16xf32>,
        tpu.vector_store %arg15[%swap3A], %exp3A {strides = array<i32>} : memref<128xf32, #tpu.memory_space<vmem>>, vector<16xf32>,
      }
      %scan3A_58 = arith.constant 8 : i32
      %dma_wait3A_59 = arith.constant 0 : i32
      %dma_wait3A_60 = tpu.memref_slice %arg11[%add3A_53, %dma_wait3A_59] : memref<81x128xi32, #tpu.memory_space<vmem>> -> memref<1x128xi32, #tpu.memory_space<vmem>>
      %dma_wait3A_61 = tpu.memref_squeeze %dma_wait3A_60 : memref<1x128xi32, #tpu.memory_space<vmem>> -> memref<128xi32, #tpu.memory_space<vmem>>
      %dma_wait3A_62 = arith.constant 0 : i32
      %dma_wait3A_63 = arith.constant 0 : i32
      %dma_wait3A_64 = tpu.memref_slice %arg17[%dma_wait3A_62, %dma_wait3A_63] : memref<10240x64xbf16, #tpu.memory_space<vmem_shared>> -> memref<10240x64xbf16, #tpu.memory_space<vmem_shared>>
      tpu.wait_indirect_dma semaphore(%arg18 : memref<!tpu.dma_semaphore, #tpu.memory_space<semaphore_mem>>) src(%dma_wait3A_64 : memref<10240x64xbf16, #tpu.memory_space<vmem_shared>>) dst(%arg13 : memref<128x64xbf16, #tpu.memory_space<vmem>>)
      %scan3A_65 = arith.constant 0 : i32
      %scan3A_66 = arith.constant 128 : i32
      %scan3A_67 = arith.addi %scan3A_65, %scan3A_66 : i32
      %scan3A_68 = arith.constant 1 : i32
      scf.for %scan3A_78 = %scan3A_65 to %scan3A_67 step %scan3A_68  : i32 {
        %mul3A_79 = arith.constant 1 : i32
        %mul3A_80 = arith.muli %scan3A_78, %mul3A_79 : i32
        %add3A_81 = arith.constant 0 : i32
        %add3A_82 = arith.addi %add3A_81, %mul3A_80 : i32
        %broadcast_in_dim3A = arith.constant 0 : i32
        %broadcast_in_dim3A_83 = vector.broadcast %broadcast_in_dim3A : i32 to vector<16xi32>
        %add3A_84 = vector.broadcast %add3A_82 : i32 to vector<16xi32>
        %add3A_85 = arith.addi %broadcast_in_dim3A_83, %add3A_84 : vector<16xi32>
        %gather3A = tpu.vector_load_idx %arg15[%add3A_85] : memref<128xf32, #tpu.memory_space<vmem>>[vector<16xi32>], vector<16xf32>,
        %get3A = arith.index_cast %add3A_82 : i32 to index
        %get3A_86 = arith.constant 0 : index
        %get3A_87 = tpu.vector_load %arg13[%get3A, %get3A_86] {strides = array<i32>} : memref<128x64xbf16, #tpu.memory_space<vmem>>, vector<32xbf16>,
        %bitcast3A = vector.bitcast %get3A_87 : vector<32xbf16> to vector<16xi32>
        %shift_left3A = arith.constant 16 : i32
        %shift_left3A_88 = vector.broadcast %shift_left3A : i32 to vector<16xi32>
        %shift_left3A_89 = arith.shli %bitcast3A, %shift_left3A_88 : vector<16xi32>
        %bitcast3A_90 = vector.bitcast %shift_left3A_89 : vector<16xi32> to vector<16xf32>
        %and3A = arith.constant -65536 : i32
        %and3A_91 = vector.broadcast %and3A : i32 to vector<16xi32>
        %and3A_92 = arith.andi %bitcast3A, %and3A_91 : vector<16xi32>
        %bitcast3A_93 = vector.bitcast %and3A_92 : vector<16xi32> to vector<16xf32>
        %mul3A_94 = arith.mulf %bitcast3A_90, %gather3A : vector<16xf32>
        %swap3A = arith.index_cast %add3A_82 : i32 to index
        %swap3A_95 = arith.constant 0 : index
        %swap3A_96 = tpu.vector_load %arg14[%swap3A, %swap3A_95] {strides = array<i32>} : memref<128x80xf32, #tpu.memory_space<vmem>>, vector<16xf32>,
        tpu.vector_store %arg14[%swap3A, %swap3A_95], %mul3A_94 {strides = array<i32>} : memref<128x80xf32, #tpu.memory_space<vmem>>, vector<16xf32>,
        %mul3A_97 = arith.mulf %bitcast3A_93, %gather3A : vector<16xf32>
        %swap3A_98 = arith.index_cast %add3A_82 : i32 to index
        %swap3A_99 = arith.constant 16 : index
        %swap3A_100 = tpu.vector_load %arg14[%swap3A_98, %swap3A_99] {strides = array<i32>} : memref<128x80xf32, #tpu.memory_space<vmem>>, vector<16xf32>,
        tpu.vector_store %arg14[%swap3A_98, %swap3A_99], %mul3A_97 {strides = array<i32>} : memref<128x80xf32, #tpu.memory_space<vmem>>, vector<16xf32>,
        %get3A_101 = arith.index_cast %add3A_82 : i32 to index
        %get3A_102 = arith.constant 32 : index
        %get3A_103 = tpu.vector_load %arg13[%get3A_101, %get3A_102] {strides = array<i32>} : memref<128x64xbf16, #tpu.memory_space<vmem>>, vector<32xbf16>,
        %bitcast3A_104 = vector.bitcast %get3A_103 : vector<32xbf16> to vector<16xi32>
        %shift_left3A_105 = arith.constant 16 : i32
        %shift_left3A_106 = vector.broadcast %shift_left3A_105 : i32 to vector<16xi32>
        %shift_left3A_107 = arith.shli %bitcast3A_104, %shift_left3A_106 : vector<16xi32>
        %bitcast3A_108 = vector.bitcast %shift_left3A_107 : vector<16xi32> to vector<16xf32>
        %and3A_109 = arith.constant -65536 : i32
        %and3A_110 = vector.broadcast %and3A_109 : i32 to vector<16xi32>
        %and3A_111 = arith.andi %bitcast3A_104, %and3A_110 : vector<16xi32>
        %bitcast3A_112 = vector.bitcast %and3A_111 : vector<16xi32> to vector<16xf32>
        %mul3A_113 = arith.mulf %bitcast3A_108, %gather3A : vector<16xf32>
        %swap3A_114 = arith.index_cast %add3A_82 : i32 to index
        %swap3A_115 = arith.constant 32 : index
        %swap3A_116 = tpu.vector_load %arg14[%swap3A_114, %swap3A_115] {strides = array<i32>} : memref<128x80xf32, #tpu.memory_space<vmem>>, vector<16xf32>,
        tpu.vector_store %arg14[%swap3A_114, %swap3A_115], %mul3A_113 {strides = array<i32>} : memref<128x80xf32, #tpu.memory_space<vmem>>, vector<16xf32>,
        %mul3A_117 = arith.mulf %bitcast3A_112, %gather3A : vector<16xf32>
        %swap3A_118 = arith.index_cast %add3A_82 : i32 to index
        %swap3A_119 = arith.constant 48 : index
        %swap3A_120 = tpu.vector_load %arg14[%swap3A_118, %swap3A_119] {strides = array<i32>} : memref<128x80xf32, #tpu.memory_space<vmem>>, vector<16xf32>,
        tpu.vector_store %arg14[%swap3A_118, %swap3A_119], %mul3A_117 {strides = array<i32>} : memref<128x80xf32, #tpu.memory_space<vmem>>, vector<16xf32>,
        %swap3A_121 = arith.index_cast %add3A_82 : i32 to index
        %swap3A_122 = arith.constant 64 : index
        %swap3A_123 = tpu.vector_load %arg14[%swap3A_121, %swap3A_122] {strides = array<i32>} : memref<128x80xf32, #tpu.memory_space<vmem>>, vector<16xf32>,
        tpu.vector_store %arg14[%swap3A_121, %swap3A_122], %gather3A {strides = array<i32>} : memref<128x80xf32, #tpu.memory_space<vmem>>, vector<16xf32>,
      }
      %scan3A_69 = arith.constant 128 : i32
      %add3A_70 = arith.constant 1 : i32
      %add3A_71 = arith.addi %add3A_53, %add3A_70 : i32
      %dma_start3A_72 = arith.constant 0 : i32
      %dma_start3A_73 = tpu.memref_slice %arg11[%add3A_71, %dma_start3A_72] : memref<81x128xi32, #tpu.memory_space<vmem>> -> memref<1x128xi32, #tpu.memory_space<vmem>>
      %dma_start3A_74 = tpu.memref_squeeze %dma_start3A_73 : memref<1x128xi32, #tpu.memory_space<vmem>> -> memref<128xi32, #tpu.memory_space<vmem>>
      %dma_start3A_75 = arith.constant 0 : i32
      %dma_start3A_76 = arith.constant 0 : i32
      %dma_start3A_77 = tpu.memref_slice %arg17[%dma_start3A_75, %dma_start3A_76] : memref<10240x64xbf16, #tpu.memory_space<vmem_shared>> -> memref<10240x64xbf16, #tpu.memory_space<vmem_shared>>
      tpu.enqueue_indirect_dma source(%dma_start3A_77 : memref<10240x64xbf16, #tpu.memory_space<vmem_shared>>) target(%arg13 : memref<128x64xbf16, #tpu.memory_space<vmem>>) offsets(%dma_start3A_74 : memref<128xi32, #tpu.memory_space<vmem>>) semaphore(%arg18 : memref<!tpu.dma_semaphore, #tpu.memory_space<semaphore_mem>>)
      "tpu.region"() ({
        %run_scoped3A_78 = tpu.sem_alloc : memref<!tpu.dma_semaphore, #tpu.memory_space<semaphore_mem>>
        %dma_start3A_79 = arith.constant 0 : i32
        %dma_start3A_80 = tpu.memref_slice %arg12[%add3A_53, %dma_start3A_79] : memref<81x128xi32, #tpu.memory_space<vmem>> -> memref<1x128xi32, #tpu.memory_space<vmem>>
        %dma_start3A_81 = tpu.memref_squeeze %dma_start3A_80 : memref<1x128xi32, #tpu.memory_space<vmem>> -> memref<128xi32, #tpu.memory_space<vmem>>
        %dma_start3A_82 = arith.constant 0 : i32
        %dma_start3A_83 = arith.constant 0 : i32
        %dma_start3A_84 = tpu.memref_slice %arg16[%dma_start3A_82, %dma_start3A_83] : memref<10240x80xf32, #tpu.memory_space<vmem_shared>> -> memref<10240x80xf32, #tpu.memory_space<vmem_shared>>
        tpu.enqueue_indirect_dma source(%arg14 : memref<128x80xf32, #tpu.memory_space<vmem>>) target(%dma_start3A_84 : memref<10240x80xf32, #tpu.memory_space<vmem_shared>>) offsets(%dma_start3A_81 : memref<128xi32, #tpu.memory_space<vmem>>) semaphore(%run_scoped3A_78 : memref<!tpu.dma_semaphore, #tpu.memory_space<semaphore_mem>>) {add = true}
        %dma_wait3A_85 = arith.constant 0 : i32
        %dma_wait3A_86 = tpu.memref_slice %arg12[%add3A_53, %dma_wait3A_85] : memref<81x128xi32, #tpu.memory_space<vmem>> -> memref<1x128xi32, #tpu.memory_space<vmem>>
        %dma_wait3A_87 = tpu.memref_squeeze %dma_wait3A_86 : memref<1x128xi32, #tpu.memory_space<vmem>> -> memref<128xi32, #tpu.memory_space<vmem>>
        %dma_wait3A_88 = arith.constant 0 : i32
        %dma_wait3A_89 = arith.constant 0 : i32
        %dma_wait3A_90 = tpu.memref_slice %arg16[%dma_wait3A_88, %dma_wait3A_89] : memref<10240x80xf32, #tpu.memory_space<vmem_shared>> -> memref<10240x80xf32, #tpu.memory_space<vmem_shared>>
        tpu.wait_indirect_dma semaphore(%run_scoped3A_78 : memref<!tpu.dma_semaphore, #tpu.memory_space<semaphore_mem>>) src(%arg14 : memref<128x80xf32, #tpu.memory_space<vmem>>) dst(%dma_wait3A_90 : memref<10240x80xf32, #tpu.memory_space<vmem_shared>>)
        tpu.yield
      }) : () -> ()
    }
    %scan3A_24 = arith.constant 80 : i32
    %scan3A_25 = arith.constant 0 : i32
    %scan3A_26 = arith.constant 8 : i32
    %scan3A_27 = arith.addi %scan3A_25, %scan3A_26 : i32
    %scan3A_28 = arith.constant 1 : i32
    scf.for %scan3A_49 = %scan3A_25 to %scan3A_27 step %scan3A_28  : i32 {
      %mul3A_50 = arith.constant 1 : i32
      %mul3A_51 = arith.muli %scan3A_49, %mul3A_50 : i32
      %add3A_52 = arith.constant 0 : i32
      %add3A_53 = arith.addi %add3A_52, %mul3A_51 : i32
      %mul3A_54 = arith.constant 16 : i32
      %mul3A_55 = arith.muli %add3A_53, %mul3A_54 : i32
      %get3A = arith.constant 80 : i32
      %get3A_56 = arith.index_cast %get3A : i32 to index
      %get3A_57 = arith.index_cast %mul3A_55 : i32 to index
      %get3A_58 = tpu.vector_load %arg11[%get3A_56, %get3A_57] {strides = array<i32>} : memref<81x128xi32, #tpu.memory_space<vmem>>, vector<16xi32>,
      %gather3A = tpu.vector_load_idx %arg9[%get3A_58] : memref<10240xf32, #tpu.memory_space<vmem>>[vector<16xi32>], vector<16xf32>,
      %get3A_59 = arith.constant 80 : i32
      %get3A_60 = arith.index_cast %get3A_59 : i32 to index
      %get3A_61 = arith.index_cast %mul3A_55 : i32 to index
      %get3A_62 = tpu.vector_load %arg12[%get3A_60, %get3A_61] {strides = array<i32>} : memref<81x128xi32, #tpu.memory_space<vmem>>, vector<16xi32>,
      %gather3A_63 = tpu.vector_load_idx %arg10[%get3A_62] : memref<10240xf32, #tpu.memory_space<vmem>>[vector<16xi32>], vector<16xf32>,
      %add3A_64 = arith.addf %gather3A, %gather3A_63 : vector<16xf32>
      %gt3A = arith.constant 0.000000e+00 : f32
      %gt3A_65 = vector.broadcast %gt3A : f32 to vector<16xf32>
      %gt3A_66 = arith.cmpf ogt, %add3A_64, %gt3A_65 : vector<16xf32>
      %mul3A_67 = arith.constant 2.000000e-01 : f32
      %mul3A_68 = vector.broadcast %mul3A_67 : f32 to vector<16xf32>
      %mul3A_69 = arith.mulf %add3A_64, %mul3A_68 : vector<16xf32>
      %select_n3A = arith.select %gt3A_66, %add3A_64, %mul3A_69 : vector<16xi1>, vector<16xf32>
      %exp3A = math.exp %select_n3A : vector<16xf32>
      %swap3A = arith.index_cast %mul3A_55 : i32 to index
      %swap3A_70 = tpu.vector_load %arg15[%swap3A] {strides = array<i32>} : memref<128xf32, #tpu.memory_space<vmem>>, vector<16xf32>,
      tpu.vector_store %arg15[%swap3A], %exp3A {strides = array<i32>} : memref<128xf32, #tpu.memory_space<vmem>>, vector<16xf32>,
    }
    %scan3A_29 = arith.constant 8 : i32
    %dma_wait3A = arith.constant 80 : i32
    %dma_wait3A_30 = arith.constant 0 : i32
    %dma_wait3A_31 = tpu.memref_slice %arg11[%dma_wait3A, %dma_wait3A_30] : memref<81x128xi32, #tpu.memory_space<vmem>> -> memref<1x128xi32, #tpu.memory_space<vmem>>
    %dma_wait3A_32 = tpu.memref_squeeze %dma_wait3A_31 : memref<1x128xi32, #tpu.memory_space<vmem>> -> memref<128xi32, #tpu.memory_space<vmem>>
    %dma_wait3A_33 = arith.constant 0 : i32
    %dma_wait3A_34 = arith.constant 0 : i32
    %dma_wait3A_35 = tpu.memref_slice %arg17[%dma_wait3A_33, %dma_wait3A_34] : memref<10240x64xbf16, #tpu.memory_space<vmem_shared>> -> memref<10240x64xbf16, #tpu.memory_space<vmem_shared>>
    tpu.wait_indirect_dma semaphore(%arg18 : memref<!tpu.dma_semaphore, #tpu.memory_space<semaphore_mem>>) src(%dma_wait3A_35 : memref<10240x64xbf16, #tpu.memory_space<vmem_shared>>) dst(%arg13 : memref<128x64xbf16, #tpu.memory_space<vmem>>)
    %scan3A_36 = arith.constant 0 : i32
    %scan3A_37 = arith.constant 128 : i32
    %scan3A_38 = arith.addi %scan3A_36, %scan3A_37 : i32
    %scan3A_39 = arith.constant 1 : i32
    scf.for %scan3A_49 = %scan3A_36 to %scan3A_38 step %scan3A_39  : i32 {
      %mul3A_50 = arith.constant 1 : i32
      %mul3A_51 = arith.muli %scan3A_49, %mul3A_50 : i32
      %add3A_52 = arith.constant 0 : i32
      %add3A_53 = arith.addi %add3A_52, %mul3A_51 : i32
      %broadcast_in_dim3A = arith.constant 0 : i32
      %broadcast_in_dim3A_54 = vector.broadcast %broadcast_in_dim3A : i32 to vector<16xi32>
      %add3A_55 = vector.broadcast %add3A_53 : i32 to vector<16xi32>
      %add3A_56 = arith.addi %broadcast_in_dim3A_54, %add3A_55 : vector<16xi32>
      %gather3A = tpu.vector_load_idx %arg15[%add3A_56] : memref<128xf32, #tpu.memory_space<vmem>>[vector<16xi32>], vector<16xf32>,
      %get3A = arith.index_cast %add3A_53 : i32 to index
      %get3A_57 = arith.constant 0 : index
      %get3A_58 = tpu.vector_load %arg13[%get3A, %get3A_57] {strides = array<i32>} : memref<128x64xbf16, #tpu.memory_space<vmem>>, vector<32xbf16>,
      %bitcast3A = vector.bitcast %get3A_58 : vector<32xbf16> to vector<16xi32>
      %shift_left3A = arith.constant 16 : i32
      %shift_left3A_59 = vector.broadcast %shift_left3A : i32 to vector<16xi32>
      %shift_left3A_60 = arith.shli %bitcast3A, %shift_left3A_59 : vector<16xi32>
      %bitcast3A_61 = vector.bitcast %shift_left3A_60 : vector<16xi32> to vector<16xf32>
      %and3A = arith.constant -65536 : i32
      %and3A_62 = vector.broadcast %and3A : i32 to vector<16xi32>
      %and3A_63 = arith.andi %bitcast3A, %and3A_62 : vector<16xi32>
      %bitcast3A_64 = vector.bitcast %and3A_63 : vector<16xi32> to vector<16xf32>
      %mul3A_65 = arith.mulf %bitcast3A_61, %gather3A : vector<16xf32>
      %swap3A = arith.index_cast %add3A_53 : i32 to index
      %swap3A_66 = arith.constant 0 : index
      %swap3A_67 = tpu.vector_load %arg14[%swap3A, %swap3A_66] {strides = array<i32>} : memref<128x80xf32, #tpu.memory_space<vmem>>, vector<16xf32>,
      tpu.vector_store %arg14[%swap3A, %swap3A_66], %mul3A_65 {strides = array<i32>} : memref<128x80xf32, #tpu.memory_space<vmem>>, vector<16xf32>,
      %mul3A_68 = arith.mulf %bitcast3A_64, %gather3A : vector<16xf32>
      %swap3A_69 = arith.index_cast %add3A_53 : i32 to index
      %swap3A_70 = arith.constant 16 : index
      %swap3A_71 = tpu.vector_load %arg14[%swap3A_69, %swap3A_70] {strides = array<i32>} : memref<128x80xf32, #tpu.memory_space<vmem>>, vector<16xf32>,
      tpu.vector_store %arg14[%swap3A_69, %swap3A_70], %mul3A_68 {strides = array<i32>} : memref<128x80xf32, #tpu.memory_space<vmem>>, vector<16xf32>,
      %get3A_72 = arith.index_cast %add3A_53 : i32 to index
      %get3A_73 = arith.constant 32 : index
      %get3A_74 = tpu.vector_load %arg13[%get3A_72, %get3A_73] {strides = array<i32>} : memref<128x64xbf16, #tpu.memory_space<vmem>>, vector<32xbf16>,
      %bitcast3A_75 = vector.bitcast %get3A_74 : vector<32xbf16> to vector<16xi32>
      %shift_left3A_76 = arith.constant 16 : i32
      %shift_left3A_77 = vector.broadcast %shift_left3A_76 : i32 to vector<16xi32>
      %shift_left3A_78 = arith.shli %bitcast3A_75, %shift_left3A_77 : vector<16xi32>
      %bitcast3A_79 = vector.bitcast %shift_left3A_78 : vector<16xi32> to vector<16xf32>
      %and3A_80 = arith.constant -65536 : i32
      %and3A_81 = vector.broadcast %and3A_80 : i32 to vector<16xi32>
      %and3A_82 = arith.andi %bitcast3A_75, %and3A_81 : vector<16xi32>
      %bitcast3A_83 = vector.bitcast %and3A_82 : vector<16xi32> to vector<16xf32>
      %mul3A_84 = arith.mulf %bitcast3A_79, %gather3A : vector<16xf32>
      %swap3A_85 = arith.index_cast %add3A_53 : i32 to index
      %swap3A_86 = arith.constant 32 : index
      %swap3A_87 = tpu.vector_load %arg14[%swap3A_85, %swap3A_86] {strides = array<i32>} : memref<128x80xf32, #tpu.memory_space<vmem>>, vector<16xf32>,
      tpu.vector_store %arg14[%swap3A_85, %swap3A_86], %mul3A_84 {strides = array<i32>} : memref<128x80xf32, #tpu.memory_space<vmem>>, vector<16xf32>,
      %mul3A_88 = arith.mulf %bitcast3A_83, %gather3A : vector<16xf32>
      %swap3A_89 = arith.index_cast %add3A_53 : i32 to index
      %swap3A_90 = arith.constant 48 : index
      %swap3A_91 = tpu.vector_load %arg14[%swap3A_89, %swap3A_90] {strides = array<i32>} : memref<128x80xf32, #tpu.memory_space<vmem>>, vector<16xf32>,
      tpu.vector_store %arg14[%swap3A_89, %swap3A_90], %mul3A_88 {strides = array<i32>} : memref<128x80xf32, #tpu.memory_space<vmem>>, vector<16xf32>,
      %swap3A_92 = arith.index_cast %add3A_53 : i32 to index
      %swap3A_93 = arith.constant 64 : index
      %swap3A_94 = tpu.vector_load %arg14[%swap3A_92, %swap3A_93] {strides = array<i32>} : memref<128x80xf32, #tpu.memory_space<vmem>>, vector<16xf32>,
      tpu.vector_store %arg14[%swap3A_92, %swap3A_93], %gather3A {strides = array<i32>} : memref<128x80xf32, #tpu.memory_space<vmem>>, vector<16xf32>,
    }
    %scan3A_40 = arith.constant 128 : i32
    %run_scoped3A = arith.constant 80 : i32
    "tpu.region"() ({
      %run_scoped3A_49 = tpu.sem_alloc : memref<!tpu.dma_semaphore, #tpu.memory_space<semaphore_mem>>
      %dma_start3A_50 = arith.constant 0 : i32
      %dma_start3A_51 = tpu.memref_slice %arg12[%run_scoped3A, %dma_start3A_50] : memref<81x128xi32, #tpu.memory_space<vmem>> -> memref<1x128xi32, #tpu.memory_space<vmem>>
      %dma_start3A_52 = tpu.memref_squeeze %dma_start3A_51 : memref<1x128xi32, #tpu.memory_space<vmem>> -> memref<128xi32, #tpu.memory_space<vmem>>
      %dma_start3A_53 = arith.constant 0 : i32
      %dma_start3A_54 = arith.constant 0 : i32
      %dma_start3A_55 = tpu.memref_slice %arg16[%dma_start3A_53, %dma_start3A_54] : memref<10240x80xf32, #tpu.memory_space<vmem_shared>> -> memref<10240x80xf32, #tpu.memory_space<vmem_shared>>
      tpu.enqueue_indirect_dma source(%arg14 : memref<128x80xf32, #tpu.memory_space<vmem>>) target(%dma_start3A_55 : memref<10240x80xf32, #tpu.memory_space<vmem_shared>>) offsets(%dma_start3A_52 : memref<128xi32, #tpu.memory_space<vmem>>) semaphore(%run_scoped3A_49 : memref<!tpu.dma_semaphore, #tpu.memory_space<semaphore_mem>>) {add = true}
      %dma_wait3A_56 = arith.constant 0 : i32
      %dma_wait3A_57 = tpu.memref_slice %arg12[%run_scoped3A, %dma_wait3A_56] : memref<81x128xi32, #tpu.memory_space<vmem>> -> memref<1x128xi32, #tpu.memory_space<vmem>>
      %dma_wait3A_58 = tpu.memref_squeeze %dma_wait3A_57 : memref<1x128xi32, #tpu.memory_space<vmem>> -> memref<128xi32, #tpu.memory_space<vmem>>
      %dma_wait3A_59 = arith.constant 0 : i32
      %dma_wait3A_60 = arith.constant 0 : i32
      %dma_wait3A_61 = tpu.memref_slice %arg16[%dma_wait3A_59, %dma_wait3A_60] : memref<10240x80xf32, #tpu.memory_space<vmem_shared>> -> memref<10240x80xf32, #tpu.memory_space<vmem_shared>>
      tpu.wait_indirect_dma semaphore(%run_scoped3A_49 : memref<!tpu.dma_semaphore, #tpu.memory_space<semaphore_mem>>) src(%arg14 : memref<128x80xf32, #tpu.memory_space<vmem>>) dst(%dma_wait3A_61 : memref<10240x80xf32, #tpu.memory_space<vmem_shared>>)
      tpu.yield
    }) : () -> ()
    %barrier3A_41 = arith.constant 0 : index
    tpu.barrier barrier_id(%barrier3A_41)
    %eq3A = arith.constant 0 : i32
    %eq3A_42 = arith.cmpi eq, %arg0, %eq3A : i32
    %convert_element_type3A = arith.extui %eq3A_42 : i1 to i32
    %cond3A = arith.constant 0 : i32
    %cond3A_43 = arith.cmpi ne, %convert_element_type3A, %cond3A : i32
    scf.if %cond3A_43 {
      %mul3A_49 = arith.constant 640 : i32
      %mul3A_50 = arith.muli %arg1, %mul3A_49 : i32
      %mul3A_51 = arith.constant 640 : i32
      %mul3A_52 = arith.muli %arg1, %mul3A_51 : i32
      "tpu.region"() ({
        %run_scoped3A_53 = tpu.sem_alloc : memref<!tpu.dma_semaphore, #tpu.memory_space<semaphore_mem>>
        %dma_start3A_54 = arith.constant 0 : i32
        %dma_start3A_55 = tpu.memref_slice %arg7[%mul3A_52, %dma_start3A_54] : memref<10240x80xf32, #tpu.memory_space<hbm>> -> memref<640x80xf32, #tpu.memory_space<hbm>>
        %dma_start3A_56 = arith.constant 0 : i32
        %dma_start3A_57 = tpu.memref_slice %arg16[%mul3A_50, %dma_start3A_56] : memref<10240x80xf32, #tpu.memory_space<vmem_shared>> -> memref<640x80xf32, #tpu.memory_space<vmem_shared>>
        tpu.enqueue_dma source(%dma_start3A_57 : memref<640x80xf32, #tpu.memory_space<vmem_shared>>) target(%dma_start3A_55 : memref<640x80xf32, #tpu.memory_space<hbm>>) target_semaphore(%run_scoped3A_53 : memref<!tpu.dma_semaphore, #tpu.memory_space<semaphore_mem>>)
        %dma_wait3A_58 = arith.constant 0 : i32
        %dma_wait3A_59 = tpu.memref_slice %arg7[%mul3A_52, %dma_wait3A_58] : memref<10240x80xf32, #tpu.memory_space<hbm>> -> memref<640x80xf32, #tpu.memory_space<hbm>>
        %dma_wait3A_60 = arith.constant 0 : i32
        %dma_wait3A_61 = tpu.memref_slice %arg16[%mul3A_50, %dma_wait3A_60] : memref<10240x80xf32, #tpu.memory_space<vmem_shared>> -> memref<640x80xf32, #tpu.memory_space<vmem_shared>>
        tpu.wait_dma2 semaphore(%run_scoped3A_53 : memref<!tpu.dma_semaphore, #tpu.memory_space<semaphore_mem>>) src(%dma_wait3A_61 : memref<640x80xf32, #tpu.memory_space<vmem_shared>>) dst(%dma_wait3A_59 : memref<640x80xf32, #tpu.memory_space<hbm>>)
        tpu.yield
      }) : () -> ()
    } else {
    }
    %eq3A_44 = arith.constant 1 : i32
    %eq3A_45 = arith.cmpi eq, %arg0, %eq3A_44 : i32
    %convert_element_type3A_46 = arith.extui %eq3A_45 : i1 to i32
    %cond3A_47 = arith.constant 0 : i32
    %cond3A_48 = arith.cmpi ne, %convert_element_type3A_46, %cond3A_47 : i32
    scf.if %cond3A_48 {
      %mul3A_49 = arith.constant 640 : i32
      %mul3A_50 = arith.muli %arg1, %mul3A_49 : i32
      %mul3A_51 = arith.constant 640 : i32
      %mul3A_52 = arith.muli %arg1, %mul3A_51 : i32
      "tpu.region"() ({
        %run_scoped3A_53 = tpu.sem_alloc : memref<!tpu.dma_semaphore, #tpu.memory_space<semaphore_mem>>
        %dma_start3A_54 = arith.constant 0 : i32
        %dma_start3A_55 = tpu.memref_slice %arg8[%mul3A_52, %dma_start3A_54] : memref<10240x80xf32, #tpu.memory_space<hbm>> -> memref<640x80xf32, #tpu.memory_space<hbm>>
        %dma_start3A_56 = arith.constant 0 : i32
        %dma_start3A_57 = tpu.memref_slice %arg16[%mul3A_50, %dma_start3A_56] : memref<10240x80xf32, #tpu.memory_space<vmem_shared>> -> memref<640x80xf32, #tpu.memory_space<vmem_shared>>
        tpu.enqueue_dma source(%dma_start3A_57 : memref<640x80xf32, #tpu.memory_space<vmem_shared>>) target(%dma_start3A_55 : memref<640x80xf32, #tpu.memory_space<hbm>>) target_semaphore(%run_scoped3A_53 : memref<!tpu.dma_semaphore, #tpu.memory_space<semaphore_mem>>)
        %dma_wait3A_58 = arith.constant 0 : i32
        %dma_wait3A_59 = tpu.memref_slice %arg8[%mul3A_52, %dma_wait3A_58] : memref<10240x80xf32, #tpu.memory_space<hbm>> -> memref<640x80xf32, #tpu.memory_space<hbm>>
        %dma_wait3A_60 = arith.constant 0 : i32
        %dma_wait3A_61 = tpu.memref_slice %arg16[%mul3A_50, %dma_wait3A_60] : memref<10240x80xf32, #tpu.memory_space<vmem_shared>> -> memref<640x80xf32, #tpu.memory_space<vmem_shared>>
        tpu.wait_dma2 semaphore(%run_scoped3A_53 : memref<!tpu.dma_semaphore, #tpu.memory_space<semaphore_mem>>) src(%dma_wait3A_61 : memref<640x80xf32, #tpu.memory_space<vmem_shared>>) dst(%dma_wait3A_59 : memref<640x80xf32, #tpu.memory_space<hbm>>)
        tpu.yield
      }) : () -> ()
    } else {
    }
    return
  }
}

module attributes {stable_mosaic.version = 14 : i64} {
  func.func @_dense1_body(%arg0: i32, %arg1: memref<1024x128xf32, #tpu.memory_space<vmem>>, %arg2: memref<128x64xf32, #tpu.memory_space<vmem>>, %arg3: memref<1x64xf32, #tpu.memory_space<vmem>>, %arg4: memref<1x64xf32, #tpu.memory_space<vmem>>, %arg5: memref<1024x64xf32, #tpu.memory_space<vmem>>, %arg6: memref<1024xf32, #tpu.memory_space<vmem>>, %arg7: memref<1024xf32, #tpu.memory_space<vmem>>) attributes {dimension_semantics = [#tpu.dimension_semantics<arbitrary>], iteration_bounds = array<i64: 10>, scalar_prefetch = 0 : i64, scratch_operands = 0 : i64, tpu.core_type = #tpu.core_type<tc>, window_params = [{transform_indices = @transform_0, window_bounds = array<i64: 1024, 128>}, {pipeline_mode = #tpu.pipeline_mode<synchronous>, transform_indices = @transform_1, window_bounds = array<i64: 128, 64>}, {pipeline_mode = #tpu.pipeline_mode<synchronous>, transform_indices = @transform_2, window_bounds = array<i64: 1, 64>}, {pipeline_mode = #tpu.pipeline_mode<synchronous>, transform_indices = @transform_3, window_bounds = array<i64: 1, 64>}, {transform_indices = @transform_4, window_bounds = array<i64: 1024, 64>}, {transform_indices = @transform_5, window_bounds = array<i64: 1024>}, {transform_indices = @transform_6, window_bounds = array<i64: 1024>}]} {
    %get3A = arith.constant 0 : index
    %get3A_0 = arith.constant 0 : index
    %get3A_1 = vector.load %arg1[%get3A, %get3A_0] : memref<1024x128xf32, #tpu.memory_space<vmem>>, vector<1024x128xf32>
    %get3A_2 = arith.constant 0 : index
    %get3A_3 = arith.constant 0 : index
    %get3A_4 = vector.load %arg2[%get3A_2, %get3A_3] : memref<128x64xf32, #tpu.memory_space<vmem>>, vector<128x64xf32>
    %dot_general3A = arith.constant dense<0.000000e+00> : vector<1024x64xf32>
    %dot_general3A_5 = tpu.matmul %get3A_1, %get3A_4, %dot_general3A {dimension_numbers = #tpu.dot_dimension_numbers<[1], [0], [0], [1], [0, 0, 1, 1], [], []>, precision = #tpu.contract_precision<fp32>, transpose_lhs_hint = false} : vector<1024x128xf32>, vector<128x64xf32>, vector<1024x64xf32> -> vector<1024x64xf32>
    %get3A_6 = arith.constant 0 : index
    %get3A_7 = arith.constant 0 : index
    %get3A_8 = vector.load %arg3[%get3A_6, %get3A_7] : memref<1x64xf32, #tpu.memory_space<vmem>>, vector<1x64xf32>
    %mul3A = vector.broadcast %get3A_8 : vector<1x64xf32> to vector<1024x64xf32>
    %mul3A_9 = arith.mulf %dot_general3A_5, %mul3A : vector<1024x64xf32>
    %reduce_sum3A = arith.constant dense<0.000000e+00> : vector<1024xf32>
    %reduce_sum3A_10 = vector.multi_reduction <add>, %mul3A_9, %reduce_sum3A [1] : vector<1024x64xf32> to vector<1024xf32>
    %swap3A = arith.constant 0 : index
    %swap3A_11 = vector.load %arg6[%swap3A] : memref<1024xf32, #tpu.memory_space<vmem>>, vector<1024xf32>
    tpu.vector_store %arg6[%swap3A], %reduce_sum3A_10 {strides = array<i32>} : memref<1024xf32, #tpu.memory_space<vmem>>, vector<1024xf32>,
    %get3A_12 = arith.constant 0 : index
    %get3A_13 = arith.constant 0 : index
    %get3A_14 = vector.load %arg4[%get3A_12, %get3A_13] : memref<1x64xf32, #tpu.memory_space<vmem>>, vector<1x64xf32>
    %mul3A_15 = vector.broadcast %get3A_14 : vector<1x64xf32> to vector<1024x64xf32>
    %mul3A_16 = arith.mulf %dot_general3A_5, %mul3A_15 : vector<1024x64xf32>
    %reduce_sum3A_17 = arith.constant dense<0.000000e+00> : vector<1024xf32>
    %reduce_sum3A_18 = vector.multi_reduction <add>, %mul3A_16, %reduce_sum3A_17 [1] : vector<1024x64xf32> to vector<1024xf32>
    %swap3A_19 = arith.constant 0 : index
    %swap3A_20 = vector.load %arg7[%swap3A_19] : memref<1024xf32, #tpu.memory_space<vmem>>, vector<1024xf32>
    tpu.vector_store %arg7[%swap3A_19], %reduce_sum3A_18 {strides = array<i32>} : memref<1024xf32, #tpu.memory_space<vmem>>, vector<1024xf32>,
    %swap3A_21 = arith.constant 0 : index
    %swap3A_22 = arith.constant 0 : index
    %swap3A_23 = vector.load %arg5[%swap3A_21, %swap3A_22] : memref<1024x64xf32, #tpu.memory_space<vmem>>, vector<1024x64xf32>
    tpu.vector_store %arg5[%swap3A_21, %swap3A_22], %dot_general3A_5 {strides = array<i32>} : memref<1024x64xf32, #tpu.memory_space<vmem>>, vector<1024x64xf32>,
    return
  }
  func.func @transform_0(%arg0: i32) -> (i32, i32) {
    %c0_i32 = arith.constant 0 : i32
    %c0_i32_0 = arith.constant 0 : i32
    return %arg0, %c0_i32 : i32, i32
  }
  func.func @transform_1(%arg0: i32) -> (i32, i32) {
    %c0_i32 = arith.constant 0 : i32
    %c0_i32_0 = arith.constant 0 : i32
    %c0_i32_1 = arith.constant 0 : i32
    return %c0_i32, %c0_i32_0 : i32, i32
  }
  func.func @transform_2(%arg0: i32) -> (i32, i32) {
    %c0_i32 = arith.constant 0 : i32
    %c0_i32_0 = arith.constant 0 : i32
    %c0_i32_1 = arith.constant 0 : i32
    return %c0_i32, %c0_i32_0 : i32, i32
  }
  func.func @transform_3(%arg0: i32) -> (i32, i32) {
    %c0_i32 = arith.constant 0 : i32
    %c0_i32_0 = arith.constant 0 : i32
    %c0_i32_1 = arith.constant 0 : i32
    return %c0_i32, %c0_i32_0 : i32, i32
  }
  func.func @transform_4(%arg0: i32) -> (i32, i32) {
    %c0_i32 = arith.constant 0 : i32
    %c0_i32_0 = arith.constant 0 : i32
    return %arg0, %c0_i32 : i32, i32
  }
  func.func @transform_5(%arg0: i32) -> i32 {
    %c0_i32 = arith.constant 0 : i32
    return %arg0 : i32
  }
  func.func @transform_6(%arg0: i32) -> i32 {
    %c0_i32 = arith.constant 0 : i32
    return %arg0 : i32
  }
}

module attributes {stable_mosaic.version = 14 : i64} {
  func.func @_dense2_body(%arg0: i32, %arg1: memref<1024x80xf32, #tpu.memory_space<vmem>>, %arg2: memref<1024x80xf32, #tpu.memory_space<vmem>>, %arg3: memref<64x64xf32, #tpu.memory_space<vmem>>, %arg4: memref<1x64xf32, #tpu.memory_space<vmem>>, %arg5: memref<1x64xf32, #tpu.memory_space<vmem>>, %arg6: memref<1x64xf32, #tpu.memory_space<vmem>>, %arg7: memref<1024x64xf32, #tpu.memory_space<vmem>>, %arg8: memref<1024xf32, #tpu.memory_space<vmem>>, %arg9: memref<1024xf32, #tpu.memory_space<vmem>>) attributes {dimension_semantics = [#tpu.dimension_semantics<arbitrary>], iteration_bounds = array<i64: 10>, scalar_prefetch = 0 : i64, scratch_operands = 0 : i64, tpu.core_type = #tpu.core_type<tc>, window_params = [{transform_indices = @transform_0, window_bounds = array<i64: 1024, 80>}, {transform_indices = @transform_1, window_bounds = array<i64: 1024, 80>}, {pipeline_mode = #tpu.pipeline_mode<synchronous>, transform_indices = @transform_2, window_bounds = array<i64: 64, 64>}, {pipeline_mode = #tpu.pipeline_mode<synchronous>, transform_indices = @transform_3, window_bounds = array<i64: 1, 64>}, {pipeline_mode = #tpu.pipeline_mode<synchronous>, transform_indices = @transform_4, window_bounds = array<i64: 1, 64>}, {pipeline_mode = #tpu.pipeline_mode<synchronous>, transform_indices = @transform_5, window_bounds = array<i64: 1, 64>}, {transform_indices = @transform_6, window_bounds = array<i64: 1024, 64>}, {transform_indices = @transform_7, window_bounds = array<i64: 1024>}, {transform_indices = @transform_8, window_bounds = array<i64: 1024>}]} {
    %get3A = arith.constant 0 : index
    %get3A_0 = arith.constant 0 : index
    %get3A_1 = vector.load %arg1[%get3A, %get3A_0] : memref<1024x80xf32, #tpu.memory_space<vmem>>, vector<1024x80xf32>
    %get3A_2 = arith.constant 0 : index
    %get3A_3 = arith.constant 0 : index
    %get3A_4 = vector.load %arg2[%get3A_2, %get3A_3] : memref<1024x80xf32, #tpu.memory_space<vmem>>, vector<1024x80xf32>
    %add3A = arith.addf %get3A_1, %get3A_4 : vector<1024x80xf32>
    %slice3A = vector.extract_strided_slice %add3A {offsets = [0, 0], sizes = [1024, 64], strides = [1, 1]} : vector<1024x80xf32> to vector<1024x64xf32>
    %slice3A_5 = vector.extract_strided_slice %add3A {offsets = [0, 64], sizes = [1024, 1], strides = [1, 1]} : vector<1024x80xf32> to vector<1024x1xf32>
    %div3A = vector.broadcast %slice3A_5 : vector<1024x1xf32> to vector<1024x64xf32>
    %div3A_6 = arith.divf %slice3A, %div3A : vector<1024x64xf32>
    %get3A_7 = arith.constant 0 : index
    %get3A_8 = arith.constant 0 : index
    %get3A_9 = vector.load %arg6[%get3A_7, %get3A_8] : memref<1x64xf32, #tpu.memory_space<vmem>>, vector<1x64xf32>
    %add3A_10 = vector.broadcast %get3A_9 : vector<1x64xf32> to vector<1024x64xf32>
    %add3A_11 = arith.addf %div3A_6, %add3A_10 : vector<1024x64xf32>
    %max3A = arith.constant 0.000000e+00 : f32
    %max3A_12 = vector.broadcast %max3A : f32 to vector<1024x64xf32>
    %max3A_13 = arith.maximumf %add3A_11, %max3A_12 : vector<1024x64xf32>
    %get3A_14 = arith.constant 0 : index
    %get3A_15 = arith.constant 0 : index
    %get3A_16 = vector.load %arg3[%get3A_14, %get3A_15] : memref<64x64xf32, #tpu.memory_space<vmem>>, vector<64x64xf32>
    %dot_general3A = arith.constant dense<0.000000e+00> : vector<1024x64xf32>
    %dot_general3A_17 = tpu.matmul %max3A_13, %get3A_16, %dot_general3A {dimension_numbers = #tpu.dot_dimension_numbers<[1], [0], [0], [1], [0, 0, 1, 1], [], []>, precision = #tpu.contract_precision<fp32>, transpose_lhs_hint = false} : vector<1024x64xf32>, vector<64x64xf32>, vector<1024x64xf32> -> vector<1024x64xf32>
    %get3A_18 = arith.constant 0 : index
    %get3A_19 = arith.constant 0 : index
    %get3A_20 = vector.load %arg4[%get3A_18, %get3A_19] : memref<1x64xf32, #tpu.memory_space<vmem>>, vector<1x64xf32>
    %mul3A = vector.broadcast %get3A_20 : vector<1x64xf32> to vector<1024x64xf32>
    %mul3A_21 = arith.mulf %dot_general3A_17, %mul3A : vector<1024x64xf32>
    %reduce_sum3A = arith.constant dense<0.000000e+00> : vector<1024xf32>
    %reduce_sum3A_22 = vector.multi_reduction <add>, %mul3A_21, %reduce_sum3A [1] : vector<1024x64xf32> to vector<1024xf32>
    %swap3A = arith.constant 0 : index
    %swap3A_23 = vector.load %arg8[%swap3A] : memref<1024xf32, #tpu.memory_space<vmem>>, vector<1024xf32>
    tpu.vector_store %arg8[%swap3A], %reduce_sum3A_22 {strides = array<i32>} : memref<1024xf32, #tpu.memory_space<vmem>>, vector<1024xf32>,
    %get3A_24 = arith.constant 0 : index
    %get3A_25 = arith.constant 0 : index
    %get3A_26 = vector.load %arg5[%get3A_24, %get3A_25] : memref<1x64xf32, #tpu.memory_space<vmem>>, vector<1x64xf32>
    %mul3A_27 = vector.broadcast %get3A_26 : vector<1x64xf32> to vector<1024x64xf32>
    %mul3A_28 = arith.mulf %dot_general3A_17, %mul3A_27 : vector<1024x64xf32>
    %reduce_sum3A_29 = arith.constant dense<0.000000e+00> : vector<1024xf32>
    %reduce_sum3A_30 = vector.multi_reduction <add>, %mul3A_28, %reduce_sum3A_29 [1] : vector<1024x64xf32> to vector<1024xf32>
    %swap3A_31 = arith.constant 0 : index
    %swap3A_32 = vector.load %arg9[%swap3A_31] : memref<1024xf32, #tpu.memory_space<vmem>>, vector<1024xf32>
    tpu.vector_store %arg9[%swap3A_31], %reduce_sum3A_30 {strides = array<i32>} : memref<1024xf32, #tpu.memory_space<vmem>>, vector<1024xf32>,
    %swap3A_33 = arith.constant 0 : index
    %swap3A_34 = arith.constant 0 : index
    %swap3A_35 = vector.load %arg7[%swap3A_33, %swap3A_34] : memref<1024x64xf32, #tpu.memory_space<vmem>>, vector<1024x64xf32>
    tpu.vector_store %arg7[%swap3A_33, %swap3A_34], %dot_general3A_17 {strides = array<i32>} : memref<1024x64xf32, #tpu.memory_space<vmem>>, vector<1024x64xf32>,
    return
  }
  func.func @transform_0(%arg0: i32) -> (i32, i32) {
    %c0_i32 = arith.constant 0 : i32
    %c0_i32_0 = arith.constant 0 : i32
    return %arg0, %c0_i32 : i32, i32
  }
  func.func @transform_1(%arg0: i32) -> (i32, i32) {
    %c0_i32 = arith.constant 0 : i32
    %c0_i32_0 = arith.constant 0 : i32
    return %arg0, %c0_i32 : i32, i32
  }
  func.func @transform_2(%arg0: i32) -> (i32, i32) {
    %c0_i32 = arith.constant 0 : i32
    %c0_i32_0 = arith.constant 0 : i32
    %c0_i32_1 = arith.constant 0 : i32
    return %c0_i32, %c0_i32_0 : i32, i32
  }
  func.func @transform_3(%arg0: i32) -> (i32, i32) {
    %c0_i32 = arith.constant 0 : i32
    %c0_i32_0 = arith.constant 0 : i32
    %c0_i32_1 = arith.constant 0 : i32
    return %c0_i32, %c0_i32_0 : i32, i32
  }
  func.func @transform_4(%arg0: i32) -> (i32, i32) {
    %c0_i32 = arith.constant 0 : i32
    %c0_i32_0 = arith.constant 0 : i32
    %c0_i32_1 = arith.constant 0 : i32
    return %c0_i32, %c0_i32_0 : i32, i32
  }
  func.func @transform_5(%arg0: i32) -> (i32, i32) {
    %c0_i32 = arith.constant 0 : i32
    %c0_i32_0 = arith.constant 0 : i32
    %c0_i32_1 = arith.constant 0 : i32
    return %c0_i32, %c0_i32_0 : i32, i32
  }
  func.func @transform_6(%arg0: i32) -> (i32, i32) {
    %c0_i32 = arith.constant 0 : i32
    %c0_i32_0 = arith.constant 0 : i32
    return %arg0, %c0_i32 : i32, i32
  }
  func.func @transform_7(%arg0: i32) -> i32 {
    %c0_i32 = arith.constant 0 : i32
    return %arg0 : i32
  }
  func.func @transform_8(%arg0: i32) -> i32 {
    %c0_i32 = arith.constant 0 : i32
    return %arg0 : i32
  }
}

module attributes {stable_mosaic.version = 14 : i64} {
  func.func @_final_body(%arg0: i32, %arg1: memref<1024x80xf32, #tpu.memory_space<vmem>>, %arg2: memref<1024x80xf32, #tpu.memory_space<vmem>>, %arg3: memref<1x64xf32, #tpu.memory_space<vmem>>, %arg4: memref<1024x64xf32, #tpu.memory_space<vmem>>) attributes {dimension_semantics = [#tpu.dimension_semantics<arbitrary>], iteration_bounds = array<i64: 10>, scalar_prefetch = 0 : i64, scratch_operands = 0 : i64, tpu.core_type = #tpu.core_type<tc>, window_params = [{transform_indices = @transform_0, window_bounds = array<i64: 1024, 80>}, {transform_indices = @transform_1, window_bounds = array<i64: 1024, 80>}, {pipeline_mode = #tpu.pipeline_mode<synchronous>, transform_indices = @transform_2, window_bounds = array<i64: 1, 64>}, {transform_indices = @transform_3, window_bounds = array<i64: 1024, 64>}]} {
    %get3A = arith.constant 0 : index
    %get3A_0 = arith.constant 0 : index
    %get3A_1 = vector.load %arg1[%get3A, %get3A_0] : memref<1024x80xf32, #tpu.memory_space<vmem>>, vector<1024x80xf32>
    %get3A_2 = arith.constant 0 : index
    %get3A_3 = arith.constant 0 : index
    %get3A_4 = vector.load %arg2[%get3A_2, %get3A_3] : memref<1024x80xf32, #tpu.memory_space<vmem>>, vector<1024x80xf32>
    %add3A = arith.addf %get3A_1, %get3A_4 : vector<1024x80xf32>
    %slice3A = vector.extract_strided_slice %add3A {offsets = [0, 0], sizes = [1024, 64], strides = [1, 1]} : vector<1024x80xf32> to vector<1024x64xf32>
    %slice3A_5 = vector.extract_strided_slice %add3A {offsets = [0, 64], sizes = [1024, 1], strides = [1, 1]} : vector<1024x80xf32> to vector<1024x1xf32>
    %div3A = vector.broadcast %slice3A_5 : vector<1024x1xf32> to vector<1024x64xf32>
    %div3A_6 = arith.divf %slice3A, %div3A : vector<1024x64xf32>
    %get3A_7 = arith.constant 0 : index
    %get3A_8 = arith.constant 0 : index
    %get3A_9 = vector.load %arg3[%get3A_7, %get3A_8] : memref<1x64xf32, #tpu.memory_space<vmem>>, vector<1x64xf32>
    %add3A_10 = vector.broadcast %get3A_9 : vector<1x64xf32> to vector<1024x64xf32>
    %add3A_11 = arith.addf %div3A_6, %add3A_10 : vector<1024x64xf32>
    %swap3A = arith.constant 0 : index
    %swap3A_12 = arith.constant 0 : index
    %swap3A_13 = vector.load %arg4[%swap3A, %swap3A_12] : memref<1024x64xf32, #tpu.memory_space<vmem>>, vector<1024x64xf32>
    tpu.vector_store %arg4[%swap3A, %swap3A_12], %add3A_11 {strides = array<i32>} : memref<1024x64xf32, #tpu.memory_space<vmem>>, vector<1024x64xf32>,
    return
  }
  func.func @transform_0(%arg0: i32) -> (i32, i32) {
    %c0_i32 = arith.constant 0 : i32
    %c0_i32_0 = arith.constant 0 : i32
    return %arg0, %c0_i32 : i32, i32
  }
  func.func @transform_1(%arg0: i32) -> (i32, i32) {
    %c0_i32 = arith.constant 0 : i32
    %c0_i32_0 = arith.constant 0 : i32
    return %arg0, %c0_i32 : i32, i32
  }
  func.func @transform_2(%arg0: i32) -> (i32, i32) {
    %c0_i32 = arith.constant 0 : i32
    %c0_i32_0 = arith.constant 0 : i32
    %c0_i32_1 = arith.constant 0 : i32
    return %c0_i32, %c0_i32_0 : i32, i32
  }
  func.func @transform_3(%arg0: i32) -> (i32, i32) {
    %c0_i32 = arith.constant 0 : i32
    %c0_i32_0 = arith.constant 0 : i32
    return %arg0, %c0_i32 : i32, i32
  }
}

</mosaic_0001>

<sc_bundles>
// kernel: kernel.10.cloned.1.call-start
scs
__scs_entry_jumppad:
0x0: {  	(pc) =	sbr.rel $0x88, $3  }
0x1: {  	(tag) =	ssettag $0x0;
	lr =	simm.s32 $0x1  }
0x2: {  	[smem:$0x3F97] =	sst lr;
	_ =	strace $0xD0000000  }
0x3: {  	_ = 	snop  }
0x4: {  	_ = 	snop  }
0x5: {  	_ = 	snop  }
0x6: {  	_ = 	snop  }
0x7: {  	_ = 	snop  }
__scs_overlays_trampoline_lowered:
0x8: {  	[smem:$0x3FA6] =	sst s0  }
0x9: {  	[smem:$0x3FA7] =	sst s1  }
0xa: {  	[smem:$0x3FA8] =	sst s2  }
0xb: {  	[smem:$0x3FA9] =	sst s3  }
0xc: {  	[smem:$0x3FAA] =	sst s4  }
0xd: {  	[smem:$0x3FAB] =	sst s5  }
0xe: {  	[smem:$0x3FAC] =	sst s6  }
0xf: {  	[smem:$0x3FAD] =	sst s7  }
0x10: {  	[smem:$0x3FAE] =	sst s8  }
0x11: {  	[smem:$0x3FAF] =	sst s9;
	s0 =	simm.s32 @!p0 $0x0  }
0x12: {  	s1 =	sld [smem:$0x3F95];
	s0 =	simm.s32 @p0 $0x1  }
0x13: {  	[smem:$0x3FB0] =	sst s0;
	s0 =	simm.s32 @!p1 $0x0  }
0x14: {  	s2 =	sld [smem:$0x3F94];
	s0 =	simm.s32 @p1 $0x1  }
0x15: {  	[smem:$0x3FB1] =	sst s0;
	s0 =	simm.s32 @!p2 $0x0  }
0x16: {  	s3 =	sld [smem:$0x3FDB];
	s0 =	simm.s32 @p2 $0x1  }
0x17: {  	s4 =	simm.s32 $0x1BF5;
	[smem:$0x3FB3] =	sst s0  }
0x18: {  	s0 =	sld [smem:$0x3F96];
	_ =	swait.ge [sflag:s4], $0x0  }
0x19: {  	s7 =	sld [smem:$0x3F97]  }
0x1a: {  	s8 =	sadd.s32 $0xFFFFE003, lr  }
0x1b: {  	s9 =	sadd.s32 $0xFFFFFEF7, lr;
	s5 =	simm.s32 $0xFFFFFFFF;
	p2 =	slt.u32 s8, $0xFFFFF086  }
0x1c: {  	p1 =	slt.u32 s9, $0xF7A;
	s5 =	simm.s32 @!p2 $0x0  }
0x1d: {  	s5 =	simm.s32 @p1 $0x1;
	p0 =	seq.s32 s7, s2  }
0x1e: {  	s7 =	smul.u32 @!p0 $0xF7A, s2;
	p2 =	seq.s32 @!p0 s5, $0x0  }
0x1f: {  	s9 =	smul.u32 $0xF7A, s1;
	s8 =	simm.s32 @!p0 $0x1BF5;
	p2 =	por !p2, p0  }
0x20: {  	[sflag:s8] =	ssyncset.s32 @!p0 $0xFFFFF086;
	s6 =	sadd.s32 @!p0 s3, s7;
	s7 =	simm.s32 @!p0 $0x108  }
0x21: {  	s3 =	sadd.s32 s3, s9;
	s6 =	sadd.s32 @!p0 $0x88, s6;
	s7 =	simm.s32 @p2 $0x1082  }
0x22: {  	[simem:s7], [sflag:s8] =	dma.local @!p0 [hbm:s6], $0xF7A  }
0x23: {  	s9 =	sor.u32 $0xD0000000, s2;
	s6 =	simm.s32 $0x108;
	_ =	swait.ge @!p0 [sflag:s8], $0x0  }
0x24: {  	s3 =	sadd.s32 $0x88, s3;
	s6 =	simm.s32 @!p1 $0x1082;
	[sflag:s4] =	ssyncset.s32 $0xFFFFF086  }
0x25: {  	[simem:s6], [sflag:s4] =	dma.local [hbm:s3], $0xF7A  }
0x26: {  	[smem:$0x3F97] =	sst s1;
	(tag) =	ssettag s2;
	_ =	strace s9  }
0x27: {  	s1 =	sld [smem:$0x3FA7]  }
0x28: {  	s2 =	sld [smem:$0x3FA8]  }
0x29: {  	s4 =	sld [smem:$0x3FAA]  }
0x2a: {  	p0 =	seq.s32 s5, $0x0;
	s5 =	sld [smem:$0x3FAB]  }
0x2b: {  	s6 =	sld [smem:$0x3FAC]  }
0x2c: {  	s7 =	sld [smem:$0x3FAD]  }
0x2d: {  	s3 =	simm.s32 $0x108;
	s8 =	sld [smem:$0x3FAE]  }
0x2e: {  	s3 =	simm.s32 @!p0 $0x1082;
	s9 =	sld [smem:$0x3FAF]  }
0x2f: {  	lr =	sadd.s32 s0, s3;
	s0 =	sld [smem:$0x3FA6]  }
0x30: {  	s3 =	sld [smem:$0x3FA9]  }
0x31: {  	[smem:$0x3FB2] =	sst s10  }
0x32: {  	s10 =	sld [smem:$0x3FB0];
	_ =	sdelay $0x3  }
0x33: {  	p0 =	seq.s32 s10, $0x1;
	s10 =	sld [smem:$0x3FB2];
	_ =	sdelay $0x3  }
0x34: {  	[smem:$0x3FB2] =	sst s10  }
0x35: {  	s10 =	sld [smem:$0x3FB1];
	_ =	sdelay $0x3  }
0x36: {  	p1 =	seq.s32 s10, $0x1;
	s10 =	sld [smem:$0x3FB2];
	_ =	sdelay $0x3  }
0x37: {  	[smem:$0x3FB2] =	sst s10  }
0x38: {  	s10 =	sld [smem:$0x3FB3]  }
0x39: {  	_ = 	snop;
	(pc) =	sbr.ind lr, $3  }
0x3a: {  	_ = 	snop  }
0x3b: {  	_ = 	snop  }
0x3c: {  	p2 =	seq.s32 s10, $0x1;
	s10 =	sld [smem:$0x3FB2]  }
0x3d: {  	_ =	shalt  }
0x3e: {  	_ =	shalt  }
0x3f: {  	_ =	shalt  }
0x40: {  	_ =	shalt  }
0x41: {  	_ =	shalt  }
0x42: {  	_ =	shalt  }
0x43: {  	_ =	shalt  }
0x44: {  	_ =	shalt  }
0x45: {  	_ =	shalt  }
0x46: {  	_ =	shalt  }
0x47: {  	_ =	shalt  }
0x48: {  	_ =	shalt  }
0x49: {  	_ =	shalt  }
0x4a: {  	_ =	shalt  }
0x4b: {  	_ =	shalt  }
0x4c: {  	_ =	shalt  }
0x4d: {  	_ =	shalt  }
0x4e: {  	_ =	shalt  }
0x4f: {  	_ =	shalt  }
0x50: {  	_ =	shalt  }
0x51: {  	_ =	shalt  }
0x52: {  	_ =	shalt  }
0x53: {  	_ =	shalt  }
0x54: {  	_ =	shalt  }
0x55: {  	_ =	shalt  }
0x56: {  	_ =	shalt  }
0x57: {  	_ =	shalt  }
0x58: {  	_ =	shalt  }
0x59: {  	_ =	shalt  }
0x5a: {  	_ =	shalt  }
0x5b: {  	_ =	shalt  }
0x5c: {  	_ =	shalt  }
0x5d: {  	_ =	shalt  }
0x5e: {  	_ =	shalt  }
0x5f: {  	_ =	shalt  }
0x60: {  	_ =	shalt  }
0x61: {  	_ =	shalt  }
0x62: {  	_ =	shalt  }
0x63: {  	_ =	shalt  }
0x64: {  	_ =	shalt  }
0x65: {  	_ =	shalt  }
0x66: {  	_ =	shalt  }
0x67: {  	_ =	shalt  }
0x68: {  	_ =	shalt  }
0x69: {  	_ =	shalt  }
0x6a: {  	_ =	shalt  }
0x6b: {  	_ =	shalt  }
0x6c: {  	_ =	shalt  }
0x6d: {  	_ =	shalt  }
0x6e: {  	_ =	shalt  }
0x6f: {  	_ =	shalt  }
0x70: {  	_ =	shalt  }
0x71: {  	_ =	shalt  }
0x72: {  	_ =	shalt  }
0x73: {  	_ =	shalt  }
0x74: {  	_ =	shalt  }
0x75: {  	_ =	shalt  }
0x76: {  	_ =	shalt  }
0x77: {  	_ =	shalt  }
0x78: {  	_ =	shalt  }
0x79: {  	_ =	shalt  }
0x7a: {  	_ =	shalt  }
0x7b: {  	_ =	shalt  }
0x7c: {  	_ =	shalt  }
0x7d: {  	_ =	shalt  }
0x7e: {  	_ =	shalt  }
0x7f: {  	_ =	shalt  }
0x80: {  	_ =	shalt  }
0x81: {  	_ =	shalt  }
0x82: {  	_ =	shalt  }
0x83: {  	_ =	shalt  }
0x84: {  	_ =	shalt  }
0x85: {  	_ =	shalt  }
0x86: {  	_ =	shalt  }
0x87: {  	_ =	shalt  }
.Lfunc_end0:
.L_simem_size_0:
called_computation.1_lowered:
.L_overlay_start_0:
0x88: {  	s2 =	sld [smem:$0x3FD9]  }
0x89: {  	s3 =	sld [smem:$0x3FFE];
	_ =	sdelay $0x1  }
0x8a: {  	s1 =	srdreg.scid  }
0x8b: {  	s0 =	sand.u32 $0x1, s1  }
0x8c: {  	s17 =	sshll.u32 s0, $0xA;
	s2 =	sadd.s32 s3, s2  }
0x8d: {  	s2 =	sadd.s32 s2, s17  }
0x8e: {  	[smem:$0x3FBE] =	sst s2  }
0x8f: {  	_ = 	snop  }
0x90: {  	s2 =	sld [smem:$0x3FD0];
	(tm) =	ssettm $0x1  }
0x91: {  	s18 =	sld [smem:$0x3FFB];
	_ =	sdelay $0x3  }
0x92: {  	_ =	strace s18  }
0x93: {  	s3 =	sld [smem:$0x3FFC];
	_ =	sdelay $0x3  }
0x94: {  	_ =	strace s3  }
0x95: {  	s3 =	sld [smem:$0x3FFD];
	_ =	sdelay $0x3  }
0x96: {  	_ =	strace s3  }
0x97: {  	_ =	strace $0x8FFFFFFF  }
0x98: {  	s19 =	sld [smem:$0x3FDB];
	_ =	sdelay $0x1  }
0x99: {  	s4 =	simm.s32 $_scs_section_size  }
0x9a: {  	s5 =	simm.s32 $_size__tile_overlayer_lowered;
	s6 =	simm.s32 $_tile_overlayer_lowered  }
0x9b: {  	s22 =	simm.s32 $0x1BFF;
	s21 =	sshll.u32 s6, $0x1;
	s3 =	sadd.s32 s4, s19  }
0x9c: {  	s7 =	simm.s32 $0x0;
	s20 =	sshll.u32 s5, $0x1;
	s5 =	sadd.s32 s21, s3  }
0x9d: {  	[timem:s7], [sflag:s22] =	dma.local [hbm:s5], s20  }
0x9e: {  	_ =	swait.ge [sflag:s22], s20  }
0x9f: {  	s4 =	ssub.s32 $0x0, s20;
	[sflag:s22] =	ssyncset.done $0x0  }
0xa0: {  	[sflag:s22] =	ssyncadd.s32 s4;
	_ =	sdelay $0x1  }
0xa1: {  	s23 =	simm.s32 $0x1B8B  }
0xa2: {  	_ =	swait.ge [sflag:s23], $0x1  }
0xa3: {  	[sflag:s23] =	ssyncset.done $0x0  }
0xa4: {  	s25 =	simm.s32 $0x1B8E;
	s24 =	sld [smem:$0x3FFE];
	[sflag:s23] =	ssyncadd.s32 $0xFFFFFFFF  }
0xa5: {  	s26 =	simm.s32 $execute0_lowered;
	[smem:$0x3FD2] =	sst s25  }
0xa6: {  	s5 =	sshll.u32 s26, $0x1;
	_ =	strace $0x80000049;
	[dreg:$0x1] =	wrdreg $0xFFFFFFFF  }
0xa7: {  	s28 =	simm.s32 $_size_execute0_lowered;
	s3 =	sadd.s32 s3, s5;
	[dreg:$0x0] =	wrdreg $0x0  }
0xa8: {  	s5 =	sshll.u32 s28, $0x1;
	[dreg:$0x2] =	wrdreg s3  }
0xa9: {  	[dreg:$0x3] =	wrdreg s5  }
0xaa: {  	[dreg:$0x4] =	wrdreg $0xC0  }
0xab: {  	_ =	task [dreg:s7], $0x5FFFF  }
0xac: {  	[dreg:$0x1] =	wrdreg $0xFFFFFFFF  }
0xad: {  	[dreg:$0x0] =	wrdreg $0x60  }
0xae: {  	[dreg:$0x2] =	wrdreg s24  }
0xaf: {  	[dreg:$0x3] =	wrdreg s2  }
0xb0: {  	[dreg:$0x4] =	wrdreg $0xD9800  }
0xb1: {  	[dreg:$0x5] =	wrdreg $0x1A1800  }
0xb2: {  	[dreg:$0x6] =	wrdreg $0x9  }
0xb3: {  	_ =	task.clear_ibuf [dreg:s7], $0x7FFFF;
	_ =	strace $0x90000049  }
0xb4: {  	s29 =	simm.s32 $0x9;
	_ =	strace $0x8000004B  }
0xb5: {  	_ =	swait.ge [sflag:s29], $0x1  }
0xb6: {  	[sflag:s29] =	ssyncadd.s32 $0xFFFFFFFF  }
0xb7: {  	_ =	strace $0x9000004B  }
0xb8: {  	_ =	sfence  }
0xb9: {  	s30 =	sld [smem:$0x0];
	_ =	sdelay $0x2  }
0xba: {  	s31 =	sshll.u32 s1, $0xD;
	s1 =	sshrl.u32 s1, $0x2  }
0xbb: {  	s3 =	sand.u32 $0x4000, s31;
	s1 =	sadd.s32 s1, s30  }
0xbc: {  	s0 =	sor.u32 s3, s0;
	s1 =	sshll.u32 s1, $0x11  }
0xbd: {  	s0 =	sor.u32 s1, s0  }
0xbe: {  	s0 =	sadd.s32 $0x8F2B, s0  }
0xbf: {  	[sflag:s0] =	ssyncadd.remote.s32 $0x1  }
0xc0: {  	_ =	sfence.sel $0xFFFF  }
0xc1: {  	[dreg:$0x0] =	wrdreg $0xFFFFFFFF;
	(pc) =	sbr.abs _section_cstart, $3  }
0xc2: {  	[dreg:$0x1] =	wrdreg $0xFFFFFFFF  }
0xc3: {  	_ =	task.clear_ibuf [dreg:s7], $0x2FFFF;
	_ =	strace $0x9FFFFFFF  }
0xc4: {  	(tm) =	ssettm $0x7FFFFFFF  }
0xc5: {  	_ =	shalt  }
tec
execute0_lowered:
.L_overlay_start_1:
0x0: {  	(tag) =	ssettag $0x1  }
0x1: {  	s0 =	rddreg [dreg:$0x0]  }
0x2: {  	s1 =	rddreg [dreg:$0x1]  }
0x3: {  	s2 =	rddreg [dreg:$0x2];
	s13 =	stileid.u32  }
0x4: {  	s4 =	srdreg.scid;
	s3 =	rddreg [dreg:$0x3];
	s14 =	simm.s32 $0x17C00  }
0x5: {  	s17 =	simm.s32 $0xB100;
	s18 =	simm.s32 $0x2;
	s20 =	simm.s32 $0x2800  }
0x6: {  	s21 =	simm.s32 $0x5000;
	s28 =	simm.s32 $0xD900;
	s31 =	simm.s32 $0x0  }
0x7: {  	s5 =	smul.u32 $0xA000, s13;
	s6 =	sand.u32 $0x1, s4;
	s4 =	simm.s32 $0x0  }
0x8: {  	s23 =	sadd.s32 $0x2E00, s0;
	s24 =	sadd.s32 $0x3400, s0;
	s12 =	smul.u32 $0xC800, s13  }
0x9: {  	s29 =	smul.u32 $0x32000, s13;
	s7 =	sshll.u32 s6, $0x4;
	[smem:$0x7FF] =	sst s4  }
0xa: {  	s25 =	ssub.s32 $0x2, s6;
	p0 =	seq.s32 s6, $0x1;
	s8 =	sshrl.u32 s5, $0x4  }
0xb: {  	s7 =	sor.u32 s13, s7;
	_ =	strace $0x8000004A;
	[dreg:$0x5] =	wrdreg s23  }
0xc: {  	[dreg:$0x6] =	wrdreg s24;
	s11 =	sshrl.u32 s25, $0x1;
	s5 =	sshrl.u32 s5, $0x1  }
0xd: {  	s30 =	sshrl.u32 s12, $0x3;
	s22 =	sadd.s32 s12, s2;
	s14 =	simm.s32 @!p0 $0x30C00  }
0xe: {  	s23 =	simm.s32 $0x80;
	s24 =	simm.s32 $0xA100;
	s8 =	sadd.s32 s8, s0  }
0xf: {  	s9 =	smul.u32 $0x510, s7;
	s11 =	ssub.s32 s25, s11;
	s5 =	sadd.s32 s5, s3  }
0x10: {  	s25 =	sshrl.u32 s22, $0x3;
	s26 =	sadd.s32 $0x3A00, s8;
	s19 =	sshrl.u32 s5, $0x3  }
0x11: {  	s10 =	sadd.s32 s9, s0;
	[dreg:$0x7] =	wrdreg s26;
	s1 =	sadd.s32 s1, s9  }
0x12: {  	s0 =	sadd.s32 s14, s0;
	[dreg:$0x8] =	wrdreg s1;
	s1 =	sshrl.u32 s29, $0x2  }
0x13: {  	s9 =	sadd.s32 $0xDA00, s10;
	s10 =	smax.u32 s11, $0x1;
	s11 =	sadd.s32 s1, s2  }
0x14: {  	s26 =	simm.s32 $0x1;
	s16 =	sadd.s32 s0, s30;
	s12 =	sadd.s32 $0x2800, s11  }
0x15: {  	v0 =	vimm.f32 $0.0e+00;
	s13 =	sadd.s32 $0x5000, s11;
	s14 =	sadd.s32 $0x7800, s11;
	s15 =	sadd.s32 $0xA000, s11  }
.LBB2_1:
0x16: {  	s1 =	simm.s32 $0x140;
	s0 =	simm.s32 $0x0  }
.LBB2_2:
0x17: {  	p0 =	sne.s32 s1, $0x9EC0;
	[tilespmem:s0+$0xB140] =	vst v0;
	s5 =	smov.u32 s1;
	s1 =	sadd.s32 $0x140, s1  }
.Ltmp0:
0x18: {  	[tilespmem:s0+$0xB130] =	vst v0;
	(pc) =	sbr.rel @p0 .LBB2_2-.Ltmp0, $4  }
0x19: {  	[tilespmem:s0+$0xB120] =	vst v0  }
0x1a: {  	[tilespmem:s0+$0xB100] =	vst v0  }
0x1b: {  	[tilespmem:s0+$0xB110] =	vst v0  }
0x1c: {  	s0 =	sshra.s32 s5, $0x2  }
0x1d: {  	[tilespmem:s0+$0xB140] =	vst v0  }
0x1e: {  	[tilespmem:s0+$0xB130] =	vst v0  }
0x1f: {  	[tilespmem:s0+$0xB120] =	vst v0  }
0x20: {  	[tilespmem:s0+$0xB100] =	vst v0  }
0x21: {  	[tilespmem:s0+$0xB110] =	vst v0  }
0x22: {  	[spmem:s11] =	stream.linear.scatter [tilespmem:s17], [sflag:$0x2], $0x2800, $0x38;
	[tilespmem:$0x1F180] =	vst v63  }
0x23: {  	_ =	swait.ge [sflag:s18], $0x2800  }
0x24: {  	[sflag:s18] =	ssyncset.done $0x0  }
0x25: {  	[sflag:s18] =	ssyncadd.s32 $0xFFFFD800  }
0x26: {  	[spmem:s12] =	stream.linear.scatter [tilespmem:s17], [sflag:$0x2], $0x2800, $0x38;
	[tilespmem:$0x1F180] =	vst v63  }
0x27: {  	_ =	swait.ge [sflag:s18], $0x2800  }
0x28: {  	[sflag:s18] =	ssyncset.done $0x0  }
0x29: {  	[sflag:s18] =	ssyncadd.s32 $0xFFFFD800  }
0x2a: {  	[spmem:s13] =	stream.linear.scatter [tilespmem:s17], [sflag:$0x2], $0x2800, $0x38;
	[tilespmem:$0x1F180] =	vst v63  }
0x2b: {  	_ =	swait.ge [sflag:s18], $0x2800  }
0x2c: {  	[sflag:s18] =	ssyncset.done $0x0  }
0x2d: {  	[sflag:s18] =	ssyncadd.s32 $0xFFFFD800  }
0x2e: {  	[spmem:s14] =	stream.linear.scatter [tilespmem:s17], [sflag:$0x2], $0x2800, $0x38;
	[tilespmem:$0x1F180] =	vst v63  }
0x2f: {  	_ =	swait.ge [sflag:s18], $0x2800  }
0x30: {  	[sflag:s18] =	ssyncset.done $0x0  }
0x31: {  	[sflag:s18] =	ssyncadd.s32 $0xFFFFD800  }
0x32: {  	[spmem:s15] =	stream.linear.scatter [tilespmem:s17], [sflag:$0x2], $0x2800, $0x38;
	[tilespmem:$0x1F180] =	vst v63  }
0x33: {  	s5 =	stileid.u32;
	_ =	swait.ge [sflag:s18], $0x2800  }
0x34: {  	s0 =	sshll.u32 s5, $0x6;
	[sflag:s18] =	ssyncset.done $0x0  }
0x35: {  	s30 =	sor.u32 $0x1C02, s0;
	s6 =	rddreg [dreg:$0x7];
	[sflag:s18] =	ssyncadd.s32 $0xFFFFD800  }
0x36: {  	[spmem:s19], [sflag:s30] =	dma.local [hbm:s6], $0xA00  }
0x37: {  	_ =	swait.ge [sflag:s18], $0xA00  }
0x38: {  	[sflag:s18] =	ssyncset.done $0x0  }
0x39: {  	s7 =	rddreg [dreg:$0x5];
	[sflag:s18] =	ssyncadd.s32 $0xFFFFF600  }
0x3a: {  	[tilespmem:s31], [sflag:$0x2] =	stream.linear.gather [hbm4b:s7+s31], $0x2800, $0x38;
	[tilespmem:$0x1F180] =	vst v63  }
0x3b: {  	_ =	swait.ge [sflag:s18], $0x2800  }
0x3c: {  	[sflag:s18] =	ssyncset.done $0x0  }
0x3d: {  	s8 =	rddreg [dreg:$0x6];
	[sflag:s18] =	ssyncadd.s32 $0xFFFFD800  }
0x3e: {  	[tilespmem:s20], [sflag:$0x2] =	stream.linear.gather [hbm4b:s8+s31], $0x2800, $0x38;
	[tilespmem:$0x1F180] =	vst v63  }
0x3f: {  	_ =	swait.ge [sflag:s18], $0x2800  }
0x40: {  	[sflag:s18] =	ssyncset.done $0x0  }
0x41: {  	s22 =	rddreg [dreg:$0x8];
	[sflag:s18] =	ssyncadd.s32 $0xFFFFD800  }
0x42: {  	[tilespmem:s21], [sflag:$0x2] =	stream.linear.gather [hbm4b:s22+s31], $0x2880, $0x38;
	[tilespmem:$0x1F180] =	vst v63  }
0x43: {  	_ =	swait.ge [sflag:s18], $0x2880  }
0x44: {  	[sflag:s18] =	ssyncset.done $0x0  }
0x45: {  	s29 =	simm.s32 $0x7880;
	[sflag:s18] =	ssyncadd.s32 $0xFFFFD780  }
0x46: {  	[tilespmem:s29], [sflag:$0x2] =	stream.linear.gather [hbm4b:s9+s31], $0x2880, $0x38;
	[tilespmem:$0x1F180] =	vst v63  }
0x47: {  	_ =	swait.ge [sflag:s18], $0x2880  }
0x48: {  	[sflag:s18] =	ssyncset.done $0x0  }
0x49: {  	[sflag:s18] =	ssyncadd.s32 $0xFFFFD780  }
0x4a: {  	s1 =	simm.s32 $0x0;
	[bflag:$0x0] =	sbarrier.arrive $0xFFFF  }
0x4b: {  	[tilespmem:s24], [sflag:$0x1] =	stream.indirect.gather [spmem:s3], $0x20, s21, s23, $0xb8;
	[tilespmem:$0x1F180] =	vst v63  }
.LBB2_4:
0x4c: {  	s22 =	sshll.u32 s1, $0x7  }
0x4d: {  	v1 =	vld [tilespmem:s22+$0x5000]  }
0x4e: {  	v2 =	vld [tilespmem:s22+$0x7880];
	_ =	sdelay $0x6  }
0x4f: {  	v1 =	vld.idx.msk [tilespmem:v1+s31+$0x0], $0xffff  }
0x50: {  	v2 =	vld.idx.msk [tilespmem:v2+s20+$0x0], $0xffff;
	_ =	sdelay $0x4  }
0x51: {  	v1 =	vadd.f32 v2, v1;
	_ =	sdelay $0x1  }
0x52: {  	v2 =	vmul.f32 $2.000000030e-01, v1  }
0x53: {  	vm0 =	vgt.f32 v1, $0.0e+00  }
0x54: {  	v1 =	vsel vm0, v1, v2  }
0x55: {  	v1 =	vmul.f32 $1.442695020e+00, v1;
	_ =	sdelay $0x1  }
0x56: {  	(erf) = vpow2.f32 v1;
	_ =	sdelay $0x8  }
0x57: {  	v1 =	vpop (erf)  }
0x58: {  	[tilespmem:$0xD900] =	vst v1  }
0x59: {  	v1 =	vld [tilespmem:s22+$0x5010]  }
0x5a: {  	v2 =	vld [tilespmem:s22+$0x7890];
	_ =	sdelay $0x6  }
0x5b: {  	v1 =	vld.idx.msk [tilespmem:v1+s31+$0x0], $0xffff  }
0x5c: {  	v2 =	vld.idx.msk [tilespmem:v2+s20+$0x0], $0xffff;
	_ =	sdelay $0x4  }
0x5d: {  	v1 =	vadd.f32 v2, v1;
	_ =	sdelay $0x1  }
0x5e: {  	v2 =	vmul.f32 $2.000000030e-01, v1  }
0x5f: {  	vm9 =	vgt.f32 v1, $0.0e+00  }
0x60: {  	v1 =	vsel vm9, v1, v2  }
0x61: {  	v1 =	vmul.f32 $1.442695020e+00, v1;
	_ =	sdelay $0x1  }
0x62: {  	(erf) = vpow2.f32 v1;
	_ =	sdelay $0x8  }
0x63: {  	v1 =	vpop (erf)  }
0x64: {  	[tilespmem:$0xD910] =	vst v1  }
0x65: {  	v1 =	vld [tilespmem:s22+$0x5020]  }
0x66: {  	v2 =	vld [tilespmem:s22+$0x78A0];
	_ =	sdelay $0x6  }
0x67: {  	v1 =	vld.idx.msk [tilespmem:v1+s31+$0x0], $0xffff  }
0x68: {  	v2 =	vld.idx.msk [tilespmem:v2+s20+$0x0], $0xffff;
	_ =	sdelay $0x4  }
0x69: {  	v1 =	vadd.f32 v2, v1;
	_ =	sdelay $0x1  }
0x6a: {  	v2 =	vmul.f32 $2.000000030e-01, v1  }
0x6b: {  	vm10 =	vgt.f32 v1, $0.0e+00  }
0x6c: {  	v1 =	vsel vm10, v1, v2  }
0x6d: {  	v1 =	vmul.f32 $1.442695020e+00, v1;
	_ =	sdelay $0x1  }
0x6e: {  	(erf) = vpow2.f32 v1;
	_ =	sdelay $0x8  }
0x6f: {  	v1 =	vpop (erf)  }
0x70: {  	[tilespmem:$0xD920] =	vst v1  }
0x71: {  	v1 =	vld [tilespmem:s22+$0x5030]  }
0x72: {  	v2 =	vld [tilespmem:s22+$0x78B0];
	_ =	sdelay $0x6  }
0x73: {  	v1 =	vld.idx.msk [tilespmem:v1+s31+$0x0], $0xffff  }
0x74: {  	v2 =	vld.idx.msk [tilespmem:v2+s20+$0x0], $0xffff;
	_ =	sdelay $0x4  }
0x75: {  	v1 =	vadd.f32 v2, v1;
	_ =	sdelay $0x1  }
0x76: {  	v2 =	vmul.f32 $2.000000030e-01, v1  }
0x77: {  	vm11 =	vgt.f32 v1, $0.0e+00  }
0x78: {  	v1 =	vsel vm11, v1, v2  }
0x79: {  	v1 =	vmul.f32 $1.442695020e+00, v1;
	_ =	sdelay $0x1  }
0x7a: {  	(erf) = vpow2.f32 v1;
	_ =	sdelay $0x8  }
0x7b: {  	v1 =	vpop (erf)  }
0x7c: {  	[tilespmem:$0xD930] =	vst v1  }
0x7d: {  	v1 =	vld [tilespmem:s22+$0x5040]  }
0x7e: {  	v2 =	vld [tilespmem:s22+$0x78C0];
	_ =	sdelay $0x6  }
0x7f: {  	v1 =	vld.idx.msk [tilespmem:v1+s31+$0x0], $0xffff  }
0x80: {  	v2 =	vld.idx.msk [tilespmem:v2+s20+$0x0], $0xffff;
	_ =	sdelay $0x4  }
0x81: {  	v1 =	vadd.f32 v2, v1;
	_ =	sdelay $0x1  }
0x82: {  	v2 =	vmul.f32 $2.000000030e-01, v1  }
0x83: {  	vm12 =	vgt.f32 v1, $0.0e+00  }
0x84: {  	v1 =	vsel vm12, v1, v2  }
0x85: {  	v1 =	vmul.f32 $1.442695020e+00, v1;
	_ =	sdelay $0x1  }
0x86: {  	(erf) = vpow2.f32 v1;
	_ =	sdelay $0x8  }
0x87: {  	v1 =	vpop (erf)  }
0x88: {  	[tilespmem:$0xD940] =	vst v1  }
0x89: {  	v1 =	vld [tilespmem:s22+$0x5050]  }
0x8a: {  	v2 =	vld [tilespmem:s22+$0x78D0];
	_ =	sdelay $0x6  }
0x8b: {  	v1 =	vld.idx.msk [tilespmem:v1+s31+$0x0], $0xffff  }
0x8c: {  	v2 =	vld.idx.msk [tilespmem:v2+s20+$0x0], $0xffff;
	_ =	sdelay $0x4  }
0x8d: {  	v1 =	vadd.f32 v2, v1;
	_ =	sdelay $0x1  }
0x8e: {  	v2 =	vmul.f32 $2.000000030e-01, v1  }
0x8f: {  	vm13 =	vgt.f32 v1, $0.0e+00  }
0x90: {  	v1 =	vsel vm13, v1, v2  }
0x91: {  	v1 =	vmul.f32 $1.442695020e+00, v1;
	_ =	sdelay $0x1  }
0x92: {  	(erf) = vpow2.f32 v1;
	_ =	sdelay $0x8  }
0x93: {  	v1 =	vpop (erf)  }
0x94: {  	[tilespmem:$0xD950] =	vst v1  }
0x95: {  	v1 =	vld [tilespmem:s22+$0x5060]  }
0x96: {  	v2 =	vld [tilespmem:s22+$0x78E0];
	_ =	sdelay $0x6  }
0x97: {  	v1 =	vld.idx.msk [tilespmem:v1+s31+$0x0], $0xffff  }
0x98: {  	v2 =	vld.idx.msk [tilespmem:v2+s20+$0x0], $0xffff;
	_ =	sdelay $0x4  }
0x99: {  	v1 =	vadd.f32 v2, v1;
	_ =	sdelay $0x1  }
0x9a: {  	v2 =	vmul.f32 $2.000000030e-01, v1  }
0x9b: {  	vm14 =	vgt.f32 v1, $0.0e+00  }
0x9c: {  	v1 =	vsel vm14, v1, v2  }
0x9d: {  	v1 =	vmul.f32 $1.442695020e+00, v1;
	_ =	sdelay $0x1  }
0x9e: {  	(erf) = vpow2.f32 v1;
	_ =	sdelay $0x8  }
0x9f: {  	v1 =	vpop (erf)  }
0xa0: {  	[tilespmem:$0xD960] =	vst v1  }
0xa1: {  	v1 =	vld [tilespmem:s22+$0x5070]  }
0xa2: {  	v2 =	vld [tilespmem:s22+$0x78F0];
	_ =	sdelay $0x6  }
0xa3: {  	v1 =	vld.idx.msk [tilespmem:v1+s31+$0x0], $0xffff  }
0xa4: {  	v2 =	vld.idx.msk [tilespmem:v2+s20+$0x0], $0xffff;
	_ =	sdelay $0x4  }
0xa5: {  	v1 =	vadd.f32 v2, v1;
	_ =	sdelay $0x1  }
0xa6: {  	v2 =	vmul.f32 $2.000000030e-01, v1  }
0xa7: {  	vm15 =	vgt.f32 v1, $0.0e+00  }
0xa8: {  	v1 =	vsel vm15, v1, v2  }
0xa9: {  	v1 =	vmul.f32 $1.442695020e+00, v1;
	_ =	sdelay $0x1  }
0xaa: {  	(erf) = vpow2.f32 v1;
	_ =	sdelay $0x8  }
0xab: {  	v1 =	vpop (erf)  }
0xac: {  	[tilespmem:$0xD970] =	vst v1;
	v1 =	vmov s31  }
0xad: {  	_ =	swait.ge [sflag:s26], $0x1000  }
0xae: {  	[sflag:s26] =	ssyncset.done $0x0  }
0xaf: {  	s0 =	simm.s32 $0xA110;
	[sflag:s26] =	ssyncadd.s32 $0xFFFFF000  }
0xb0: {  	v2 =	vld [tilespmem:s0+$0xFFFFFFF0]  }
0xb1: {  	v4 =	vld.idx.msk [tilespmem:v1+s28+$0x0], $0xffff;
	_ =	sdelay $0x3  }
0xb2: {  	v1 =	vshll.u32 v2, $0x10  }
0xb3: {  	v2 =	vand.u32 $0xFFFF0000, v2;
	v1 =	vmul.f32 v1, v4  }
0xb4: {  	s29 =	simm.s32 $0xB120;
	v2 =	vmul.f32 v2, v4  }
0xb5: {  	[tilespmem:s29+$0xFFFFFFE0] =	vst v1  }
0xb6: {  	[tilespmem:s29+$0xFFFFFFF0] =	vst v2  }
0xb7: {  	v1 =	vld [tilespmem:s0+$0x0];
	_ =	sdelay $0x4  }
0xb8: {  	s5 =	simm.s32 $0x1;
	v2 =	vshll.u32 v1, $0x10;
	v5 =	vand.u32 $0xFFFF0000, v1  }
0xb9: {  	s6 =	simm.s32 $0x2;
	[tilespmem:s29+$0x20] =	vst v4;
	v1 =	vmov s5;
	s5 =	simm.s32 $0xB120;
	v3 =	vmul.f32 v2, v4;
	v2 =	vmul.f32 v5, v4  }
.LBB2_5:
0xba: {  	s29 =	sadd.s32 $0x50, s29  }
0xbb: {  	s0 =	sadd.s32 $0x20, s0;
	s7 =	smov.u32 s6;
	s8 =	sadd.s32 $0x1, s6  }
0xbc: {  	p0 =	sne.s32 s6, $0x7F;
	[tilespmem:s5+$0x0] =	vst v3  }
0xbd: {  	[tilespmem:s5+$0x10] =	vst v2;
	s5 =	smov.u32 s29  }
0xbe: {  	v2 =	vld [tilespmem:s0+$0xFFFFFFF0]  }
0xbf: {  	v4 =	vld.idx.msk [tilespmem:v1+s28+$0x0], $0xffff;
	_ =	sdelay $0x4  }
0xc0: {  	v1 =	vshll.u32 v2, $0x10;
	v2 =	vand.u32 $0xFFFF0000, v2  }
0xc1: {  	v1 =	vmul.f32 v1, v4;
	v2 =	vmul.f32 v2, v4;
	_ =	sdelay $0x1  }
0xc2: {  	[tilespmem:s29+$0xFFFFFFE0] =	vst v1  }
0xc3: {  	[tilespmem:s29+$0xFFFFFFF0] =	vst v2  }
0xc4: {  	v1 =	vld [tilespmem:s0+$0x0]  }
0xc5: {  	[tilespmem:s29+$0x20] =	vst v4  }
.Ltmp1:
0xc6: {  	(pc) =	sbr.rel @p0 .LBB2_5-.Ltmp1, $3  }
0xc7: {  	_ =	sdelay $0x1  }
0xc8: {  	v2 =	vshll.u32 v1, $0x10;
	v5 =	vand.u32 $0xFFFF0000, v1  }
0xc9: {  	s6 =	smov.u32 s8;
	v1 =	vmov s7;
	v3 =	vmul.f32 v2, v4;
	v2 =	vmul.f32 v5, v4  }
0xca: {  	_ = 	snop  }
0xcb: {  	[tilespmem:s5+$0x0] =	vst v3  }
0xcc: {  	s0 =	sadd.s32 $0x20, s0;
	[tilespmem:s5+$0x10] =	vst v2  }
0xcd: {  	v2 =	vld [tilespmem:s0+$0xFFFFFFF0]  }
0xce: {  	v1 =	vld.idx.msk [tilespmem:v1+s28+$0x0], $0xffff;
	_ =	sdelay $0x3  }
0xcf: {  	v3 =	vshll.u32 v2, $0x10  }
0xd0: {  	v2 =	vand.u32 $0xFFFF0000, v2;
	v3 =	vmul.f32 v3, v1  }
0xd1: {  	s7 =	sadd.s32 $0x50, s29;
	v2 =	vmul.f32 v2, v1  }
0xd2: {  	[tilespmem:s7+$0xFFFFFFE0] =	vst v3  }
0xd3: {  	[tilespmem:s7+$0xFFFFFFF0] =	vst v2  }
0xd4: {  	v2 =	vld [tilespmem:s0+$0x0];
	_ =	sdelay $0x4  }
0xd5: {  	v3 =	vshll.u32 v2, $0x10  }
0xd6: {  	s1 =	sadd.s32 $0x1, s1;
	v2 =	vand.u32 $0xFFFF0000, v2;
	v3 =	vmul.f32 v3, v1  }
0xd7: {  	s8 =	sshll.u32 s1, $0x7;
	[tilespmem:s7+$0x20] =	vst v1;
	v1 =	vmul.f32 v2, v1  }
0xd8: {  	s0 =	sand.u32 $0x3FFFFF80, s8;
	[tilespmem:s7+$0x0] =	vst v3  }
0xd9: {  	s29 =	sand.u32 $0x3FFFFF80, s22;
	p0 =	sne.s32 s1, $0x50;
	s0 =	sadd.s32 $0x5000, s0;
	[tilespmem:s7+$0x10] =	vst v1  }
0xda: {  	[tilespmem:s24], [sflag:$0x1] =	stream.indirect.gather [spmem:s3], $0x20, s0, s23, $0xb8;
	[tilespmem:$0x1F180] =	vst v63  }
.Ltmp2:
0xdb: {  	s0 =	sadd.s32 $0x7880, s29;
	(pc) =	sbr.rel @p0 .LBB2_4-.Ltmp2, $4  }
0xdc: {  	[spmem:s2] =	stream.indirect.scatter.add.f32 [tilespmem:s17], [sflag:$0x2], $0x50, s0, s23, $0xb8;
	[tilespmem:$0x1F180] =	vst v63  }
0xdd: {  	_ =	swait.ge [sflag:s18], $0x2800  }
0xde: {  	[sflag:s18] =	ssyncset.done $0x0  }
0xdf: {  	[sflag:s18] =	ssyncadd.s32 $0xFFFFD800  }
0xe0: {  	v1 =	vld [tilespmem:$0x7800]  }
0xe1: {  	v2 =	vld [tilespmem:$0xA080];
	_ =	sdelay $0x5  }
0xe2: {  	s1 =	simm.s32 $0x0  }
0xe3: {  	v1 =	vld.idx.msk [tilespmem:v1+s1+$0x0], $0xffff  }
0xe4: {  	v2 =	vld.idx.msk [tilespmem:v2+s20+$0x0], $0xffff;
	_ =	sdelay $0x4  }
0xe5: {  	v1 =	vadd.f32 v2, v1;
	_ =	sdelay $0x1  }
0xe6: {  	v2 =	vmul.f32 $2.000000030e-01, v1  }
0xe7: {  	vm0 =	vgt.f32 v1, $0.0e+00  }
0xe8: {  	v1 =	vsel vm0, v1, v2  }
0xe9: {  	v1 =	vmul.f32 $1.442695020e+00, v1;
	_ =	sdelay $0x1  }
0xea: {  	(erf) = vpow2.f32 v1;
	_ =	sdelay $0x2  }
0xeb: {  	v1 =	vld [tilespmem:$0x7810]  }
0xec: {  	v2 =	vld [tilespmem:$0xA090];
	_ =	sdelay $0x4  }
0xed: {  	v3 =	vpop (erf)  }
0xee: {  	[tilespmem:$0xD900] =	vst v3  }
0xef: {  	v1 =	vld.idx.msk [tilespmem:v1+s1+$0x0], $0xffff  }
0xf0: {  	v2 =	vld.idx.msk [tilespmem:v2+s20+$0x0], $0xffff;
	_ =	sdelay $0x4  }
0xf1: {  	v1 =	vadd.f32 v2, v1;
	_ =	sdelay $0x1  }
0xf2: {  	v2 =	vmul.f32 $2.000000030e-01, v1  }
0xf3: {  	vm9 =	vgt.f32 v1, $0.0e+00  }
0xf4: {  	v1 =	vsel vm9, v1, v2  }
0xf5: {  	v1 =	vmul.f32 $1.442695020e+00, v1;
	_ =	sdelay $0x1  }
0xf6: {  	(erf) = vpow2.f32 v1;
	_ =	sdelay $0x2  }
0xf7: {  	v1 =	vld [tilespmem:$0x7820]  }
0xf8: {  	v2 =	vld [tilespmem:$0xA0A0];
	_ =	sdelay $0x4  }
0xf9: {  	v3 =	vpop (erf)  }
0xfa: {  	[tilespmem:$0xD910] =	vst v3  }
0xfb: {  	v1 =	vld.idx.msk [tilespmem:v1+s1+$0x0], $0xffff  }
0xfc: {  	v2 =	vld.idx.msk [tilespmem:v2+s20+$0x0], $0xffff;
	_ =	sdelay $0x4  }
0xfd: {  	v1 =	vadd.f32 v2, v1;
	_ =	sdelay $0x1  }
0xfe: {  	v2 =	vmul.f32 $2.000000030e-01, v1  }
0xff: {  	vm10 =	vgt.f32 v1, $0.0e+00  }
0x100: {  	v1 =	vsel vm10, v1, v2  }
0x101: {  	v1 =	vmul.f32 $1.442695020e+00, v1;
	_ =	sdelay $0x1  }
0x102: {  	(erf) = vpow2.f32 v1;
	_ =	sdelay $0x2  }
0x103: {  	v1 =	vld [tilespmem:$0x7830]  }
0x104: {  	v2 =	vld [tilespmem:$0xA0B0];
	_ =	sdelay $0x4  }
0x105: {  	v3 =	vpop (erf)  }
0x106: {  	[tilespmem:$0xD920] =	vst v3  }
0x107: {  	v1 =	vld.idx.msk [tilespmem:v1+s1+$0x0], $0xffff  }
0x108: {  	v2 =	vld.idx.msk [tilespmem:v2+s20+$0x0], $0xffff;
	_ =	sdelay $0x4  }
0x109: {  	v1 =	vadd.f32 v2, v1;
	_ =	sdelay $0x1  }
0x10a: {  	v2 =	vmul.f32 $2.000000030e-01, v1  }
0x10b: {  	vm11 =	vgt.f32 v1, $0.0e+00  }
0x10c: {  	v1 =	vsel vm11, v1, v2  }
0x10d: {  	v1 =	vmul.f32 $1.442695020e+00, v1;
	_ =	sdelay $0x1  }
0x10e: {  	(erf) = vpow2.f32 v1;
	_ =	sdelay $0x2  }
0x10f: {  	v1 =	vld [tilespmem:$0x7840]  }
0x110: {  	v2 =	vld [tilespmem:$0xA0C0];
	_ =	sdelay $0x4  }
0x111: {  	v3 =	vpop (erf)  }
0x112: {  	[tilespmem:$0xD930] =	vst v3  }
0x113: {  	v1 =	vld.idx.msk [tilespmem:v1+s1+$0x0], $0xffff  }
0x114: {  	v2 =	vld.idx.msk [tilespmem:v2+s20+$0x0], $0xffff;
	_ =	sdelay $0x4  }
0x115: {  	v1 =	vadd.f32 v2, v1;
	_ =	sdelay $0x1  }
0x116: {  	v2 =	vmul.f32 $2.000000030e-01, v1  }
0x117: {  	vm12 =	vgt.f32 v1, $0.0e+00  }
0x118: {  	v1 =	vsel vm12, v1, v2  }
0x119: {  	v1 =	vmul.f32 $1.442695020e+00, v1;
	_ =	sdelay $0x1  }
0x11a: {  	(erf) = vpow2.f32 v1;
	_ =	sdelay $0x2  }
0x11b: {  	v1 =	vld [tilespmem:$0x7850]  }
0x11c: {  	v2 =	vld [tilespmem:$0xA0D0];
	_ =	sdelay $0x4  }
0x11d: {  	v3 =	vpop (erf)  }
0x11e: {  	[tilespmem:$0xD940] =	vst v3  }
0x11f: {  	v1 =	vld.idx.msk [tilespmem:v1+s1+$0x0], $0xffff  }
0x120: {  	v2 =	vld.idx.msk [tilespmem:v2+s20+$0x0], $0xffff;
	_ =	sdelay $0x4  }
0x121: {  	v1 =	vadd.f32 v2, v1;
	_ =	sdelay $0x1  }
0x122: {  	v2 =	vmul.f32 $2.000000030e-01, v1  }
0x123: {  	vm13 =	vgt.f32 v1, $0.0e+00  }
0x124: {  	v1 =	vsel vm13, v1, v2  }
0x125: {  	v1 =	vmul.f32 $1.442695020e+00, v1;
	_ =	sdelay $0x1  }
0x126: {  	(erf) = vpow2.f32 v1;
	_ =	sdelay $0x2  }
0x127: {  	v1 =	vld [tilespmem:$0x7860]  }
0x128: {  	v2 =	vld [tilespmem:$0xA0E0];
	_ =	sdelay $0x4  }
0x129: {  	v3 =	vpop (erf)  }
0x12a: {  	[tilespmem:$0xD950] =	vst v3  }
0x12b: {  	v1 =	vld.idx.msk [tilespmem:v1+s1+$0x0], $0xffff  }
0x12c: {  	v2 =	vld.idx.msk [tilespmem:v2+s20+$0x0], $0xffff;
	_ =	sdelay $0x4  }
0x12d: {  	v1 =	vadd.f32 v2, v1;
	_ =	sdelay $0x1  }
0x12e: {  	v2 =	vmul.f32 $2.000000030e-01, v1  }
0x12f: {  	vm14 =	vgt.f32 v1, $0.0e+00  }
0x130: {  	v1 =	vsel vm14, v1, v2  }
0x131: {  	v1 =	vmul.f32 $1.442695020e+00, v1;
	_ =	sdelay $0x1  }
0x132: {  	(erf) = vpow2.f32 v1;
	_ =	sdelay $0x2  }
0x133: {  	v1 =	vld [tilespmem:$0x7870]  }
0x134: {  	v2 =	vld [tilespmem:$0xA0F0];
	_ =	sdelay $0x4  }
0x135: {  	v3 =	vpop (erf)  }
0x136: {  	[tilespmem:$0xD960] =	vst v3  }
0x137: {  	v1 =	vld.idx.msk [tilespmem:v1+s1+$0x0], $0xffff  }
0x138: {  	v2 =	vld.idx.msk [tilespmem:v2+s20+$0x0], $0xffff;
	_ =	sdelay $0x4  }
0x139: {  	v1 =	vadd.f32 v2, v1;
	_ =	sdelay $0x1  }
0x13a: {  	v2 =	vmul.f32 $2.000000030e-01, v1  }
0x13b: {  	vm15 =	vgt.f32 v1, $0.0e+00  }
0x13c: {  	v1 =	vsel vm15, v1, v2  }
0x13d: {  	v1 =	vmul.f32 $1.442695020e+00, v1;
	_ =	sdelay $0x1  }
0x13e: {  	(erf) = vpow2.f32 v1;
	_ =	sdelay $0x8  }
0x13f: {  	v1 =	vpop (erf)  }
0x140: {  	[tilespmem:$0xD970] =	vst v1;
	v1 =	vmov s1  }
0x141: {  	_ =	swait.ge [sflag:s26], $0x1000  }
0x142: {  	[sflag:s26] =	ssyncset.done $0x0  }
0x143: {  	s0 =	simm.s32 $0xA110;
	[sflag:s26] =	ssyncadd.s32 $0xFFFFF000  }
0x144: {  	v2 =	vld [tilespmem:s0+$0xFFFFFFF0]  }
0x145: {  	v4 =	vld.idx.msk [tilespmem:v1+s28+$0x0], $0xffff;
	_ =	sdelay $0x3  }
0x146: {  	v1 =	vshll.u32 v2, $0x10  }
0x147: {  	v2 =	vand.u32 $0xFFFF0000, v2;
	v1 =	vmul.f32 v1, v4  }
0x148: {  	s1 =	simm.s32 $0xB120;
	v2 =	vmul.f32 v2, v4  }
0x149: {  	[tilespmem:s1+$0xFFFFFFE0] =	vst v1  }
0x14a: {  	[tilespmem:s1+$0xFFFFFFF0] =	vst v2  }
0x14b: {  	v1 =	vld [tilespmem:s0+$0x0];
	_ =	sdelay $0x4  }
0x14c: {  	s5 =	simm.s32 $0x1;
	v2 =	vshll.u32 v1, $0x10;
	v5 =	vand.u32 $0xFFFF0000, v1  }
0x14d: {  	s6 =	simm.s32 $0x2;
	[tilespmem:s1+$0x20] =	vst v4;
	v1 =	vmov s5;
	s5 =	simm.s32 $0xB120;
	v3 =	vmul.f32 v2, v4;
	v2 =	vmul.f32 v5, v4  }
.LBB2_8:
0x14e: {  	s1 =	sadd.s32 $0x50, s1  }
0x14f: {  	s0 =	sadd.s32 $0x20, s0;
	s7 =	smov.u32 s6;
	s8 =	sadd.s32 $0x1, s6  }
0x150: {  	p0 =	sne.s32 s6, $0x7F;
	[tilespmem:s5+$0x0] =	vst v3  }
0x151: {  	[tilespmem:s5+$0x10] =	vst v2;
	s5 =	smov.u32 s1  }
0x152: {  	v2 =	vld [tilespmem:s0+$0xFFFFFFF0]  }
0x153: {  	v4 =	vld.idx.msk [tilespmem:v1+s28+$0x0], $0xffff;
	_ =	sdelay $0x4  }
0x154: {  	v1 =	vshll.u32 v2, $0x10;
	v2 =	vand.u32 $0xFFFF0000, v2  }
0x155: {  	v1 =	vmul.f32 v1, v4;
	v2 =	vmul.f32 v2, v4;
	_ =	sdelay $0x1  }
0x156: {  	[tilespmem:s1+$0xFFFFFFE0] =	vst v1  }
0x157: {  	[tilespmem:s1+$0xFFFFFFF0] =	vst v2  }
0x158: {  	v1 =	vld [tilespmem:s0+$0x0]  }
0x159: {  	[tilespmem:s1+$0x20] =	vst v4  }
.Ltmp3:
0x15a: {  	(pc) =	sbr.rel @p0 .LBB2_8-.Ltmp3, $3  }
0x15b: {  	_ =	sdelay $0x1  }
0x15c: {  	v2 =	vshll.u32 v1, $0x10;
	v5 =	vand.u32 $0xFFFF0000, v1  }
0x15d: {  	s6 =	smov.u32 s8;
	v1 =	vmov s7;
	v3 =	vmul.f32 v2, v4;
	v2 =	vmul.f32 v5, v4  }
0x15e: {  	_ = 	snop  }
0x15f: {  	[tilespmem:s5+$0x0] =	vst v3  }
0x160: {  	s0 =	sadd.s32 $0x20, s0;
	[tilespmem:s5+$0x10] =	vst v2  }
0x161: {  	v2 =	vld [tilespmem:s0+$0xFFFFFFF0]  }
0x162: {  	v1 =	vld.idx.msk [tilespmem:v1+s28+$0x0], $0xffff;
	_ =	sdelay $0x3  }
0x163: {  	v3 =	vshll.u32 v2, $0x10  }
0x164: {  	v2 =	vand.u32 $0xFFFF0000, v2;
	v3 =	vmul.f32 v3, v1  }
0x165: {  	s1 =	sadd.s32 $0x50, s1;
	v2 =	vmul.f32 v2, v1  }
0x166: {  	[tilespmem:s1+$0xFFFFFFE0] =	vst v3  }
0x167: {  	[tilespmem:s1+$0xFFFFFFF0] =	vst v2  }
0x168: {  	v2 =	vld [tilespmem:s0+$0x0];
	_ =	sdelay $0x4  }
0x169: {  	v3 =	vshll.u32 v2, $0x10  }
0x16a: {  	v2 =	vand.u32 $0xFFFF0000, v2;
	v3 =	vmul.f32 v3, v1  }
0x16b: {  	[tilespmem:s1+$0x20] =	vst v1;
	v1 =	vmul.f32 v2, v1  }
0x16c: {  	[tilespmem:s1+$0x0] =	vst v3  }
0x16d: {  	s29 =	simm.s32 $0xA080;
	[tilespmem:s1+$0x10] =	vst v1  }
0x16e: {  	[spmem:s2] =	stream.indirect.scatter.add.f32 [tilespmem:s17], [sflag:$0x2], $0x50, s29, s23, $0xb8;
	[tilespmem:$0x1F180] =	vst v63  }
0x16f: {  	_ =	swait.ge [sflag:s18], $0x2800  }
0x170: {  	s4 =	sadd.s32 $0x1, s4;
	[sflag:s18] =	ssyncset.done $0x0  }
0x171: {  	p0 =	sne.s32 s4, s10;
	[sflag:s18] =	ssyncadd.s32 $0xFFFFD800  }
.Ltmp4:
0x172: {  	[bflag:$0x0] =	sbarrier.arrive $0xFFFF;
	(pc) =	sbr.rel @p0 .LBB2_1-.Ltmp4, $4  }
0x173: {  	[hbm:s16], [sflag:s30] =	dma.local [spmem:s25], $0x1900  }
0x174: {  	_ =	swait.ge [sflag:s18], $0x1900  }
0x175: {  	[sflag:s18] =	ssyncset.done $0x0  }
0x176: {  	[sflag:s18] =	ssyncadd.s32 $0xFFFFE700  }
0x177: {  	_ =	sfence.sel $0x180000  }
0x178: {  	[bflag:$0x0] =	sbarrier.arrive $0xFFFF  }
0x179: {  	_ =	strace $0x9000004A  }
0x17a: {  	s0 =	stileid.u32;
	[bflag:$0x2] =	sbarrier.arrive $0xFFFF  }
0x17b: {  	p0 =	sne.s32 s0, $0x0;
	s0 =	rddreg [dreg:$0x4]  }
0x17c: {  	s0 =	sadd.s32 @!p0 $0x100000, s0  }
0x17d: {  	[sflag:s0] =	ssyncadd.tile.s32 @!p0 $0x1;
	_ =	shalt  }
.Lfunc_end2:
_tile_overlayer_lowered:
.L_overlay_start_2:
0x17e: {  	(tag) =	ssettag $0x2  }
0x17f: {  	s0 =	rddreg [dreg:$0x0];
	s2 =	stileid.u32  }
0x180: {  	s1 =	rddreg [dreg:$0x1];
	p0 =	sne.s32 s2, $0x0  }
0x181: {  	s3 =	rddreg [dreg:$0x2];
	[bflag:$0x3] =	sbarrier.arrive $0xFFFF;
	s2 =	simm.s32 @!p0 $0x1C02  }
0x182: {  	[timem:s3], [sflag:s2] =	dma.local @!p0 [hbm:s0], s1  }
0x183: {  	s0 =	simm.s32 @!p0 $0x2  }
0x184: {  	_ =	swait.ge @!p0 [sflag:s0], s1  }
0x185: {  	s1 =	ssub.s32 @!p0 $0x0, s1;
	[sflag:s0] =	ssyncset.done @!p0 $0x0  }
0x186: {  	[sflag:s0] =	ssyncadd.s32 @!p0 s1  }
0x187: {  	[bflag:$0x3] =	sbarrier.arrive $0xFFFF  }
0x188: {  	_ =	shalt  }

// kernel: kernel.7.cloned.1.call-start
scs
__scs_entry_jumppad:
0x0: {  	(pc) =	sbr.rel $0x88, $3  }
0x1: {  	(tag) =	ssettag $0x0;
	lr =	simm.s32 $0x1  }
0x2: {  	[smem:$0x3F97] =	sst lr;
	_ =	strace $0xD0000000  }
0x3: {  	_ = 	snop  }
0x4: {  	_ = 	snop  }
0x5: {  	_ = 	snop  }
0x6: {  	_ = 	snop  }
0x7: {  	_ = 	snop  }
__scs_overlays_trampoline_lowered:
0x8: {  	[smem:$0x3FA6] =	sst s0  }
0x9: {  	[smem:$0x3FA7] =	sst s1  }
0xa: {  	[smem:$0x3FA8] =	sst s2  }
0xb: {  	[smem:$0x3FA9] =	sst s3  }
0xc: {  	[smem:$0x3FAA] =	sst s4  }
0xd: {  	[smem:$0x3FAB] =	sst s5  }
0xe: {  	[smem:$0x3FAC] =	sst s6  }
0xf: {  	[smem:$0x3FAD] =	sst s7  }
0x10: {  	[smem:$0x3FAE] =	sst s8  }
0x11: {  	[smem:$0x3FAF] =	sst s9;
	s0 =	simm.s32 @!p0 $0x0  }
0x12: {  	s1 =	sld [smem:$0x3F95];
	s0 =	simm.s32 @p0 $0x1  }
0x13: {  	[smem:$0x3FB0] =	sst s0;
	s0 =	simm.s32 @!p1 $0x0  }
0x14: {  	s2 =	sld [smem:$0x3F94];
	s0 =	simm.s32 @p1 $0x1  }
0x15: {  	[smem:$0x3FB1] =	sst s0;
	s0 =	simm.s32 @!p2 $0x0  }
0x16: {  	s3 =	sld [smem:$0x3FDB];
	s0 =	simm.s32 @p2 $0x1  }
0x17: {  	s4 =	simm.s32 $0x1BF5;
	[smem:$0x3FB3] =	sst s0  }
0x18: {  	s0 =	sld [smem:$0x3F96];
	_ =	swait.ge [sflag:s4], $0x0  }
0x19: {  	s7 =	sld [smem:$0x3F97]  }
0x1a: {  	s8 =	sadd.s32 $0xFFFFE003, lr  }
0x1b: {  	s9 =	sadd.s32 $0xFFFFFEF7, lr;
	s5 =	simm.s32 $0xFFFFFFFF;
	p2 =	slt.u32 s8, $0xFFFFF086  }
0x1c: {  	p1 =	slt.u32 s9, $0xF7A;
	s5 =	simm.s32 @!p2 $0x0  }
0x1d: {  	s5 =	simm.s32 @p1 $0x1;
	p0 =	seq.s32 s7, s2  }
0x1e: {  	s7 =	smul.u32 @!p0 $0xF7A, s2;
	p2 =	seq.s32 @!p0 s5, $0x0  }
0x1f: {  	s9 =	smul.u32 $0xF7A, s1;
	s8 =	simm.s32 @!p0 $0x1BF5;
	p2 =	por !p2, p0  }
0x20: {  	[sflag:s8] =	ssyncset.s32 @!p0 $0xFFFFF086;
	s6 =	sadd.s32 @!p0 s3, s7;
	s7 =	simm.s32 @!p0 $0x108  }
0x21: {  	s3 =	sadd.s32 s3, s9;
	s6 =	sadd.s32 @!p0 $0x88, s6;
	s7 =	simm.s32 @p2 $0x1082  }
0x22: {  	[simem:s7], [sflag:s8] =	dma.local @!p0 [hbm:s6], $0xF7A  }
0x23: {  	s9 =	sor.u32 $0xD0000000, s2;
	s6 =	simm.s32 $0x108;
	_ =	swait.ge @!p0 [sflag:s8], $0x0  }
0x24: {  	s3 =	sadd.s32 $0x88, s3;
	s6 =	simm.s32 @!p1 $0x1082;
	[sflag:s4] =	ssyncset.s32 $0xFFFFF086  }
0x25: {  	[simem:s6], [sflag:s4] =	dma.local [hbm:s3], $0xF7A  }
0x26: {  	[smem:$0x3F97] =	sst s1;
	(tag) =	ssettag s2;
	_ =	strace s9  }
0x27: {  	s1 =	sld [smem:$0x3FA7]  }
0x28: {  	s2 =	sld [smem:$0x3FA8]  }
0x29: {  	s4 =	sld [smem:$0x3FAA]  }
0x2a: {  	p0 =	seq.s32 s5, $0x0;
	s5 =	sld [smem:$0x3FAB]  }
0x2b: {  	s6 =	sld [smem:$0x3FAC]  }
0x2c: {  	s7 =	sld [smem:$0x3FAD]  }
0x2d: {  	s3 =	simm.s32 $0x108;
	s8 =	sld [smem:$0x3FAE]  }
0x2e: {  	s3 =	simm.s32 @!p0 $0x1082;
	s9 =	sld [smem:$0x3FAF]  }
0x2f: {  	lr =	sadd.s32 s0, s3;
	s0 =	sld [smem:$0x3FA6]  }
0x30: {  	s3 =	sld [smem:$0x3FA9]  }
0x31: {  	[smem:$0x3FB2] =	sst s10  }
0x32: {  	s10 =	sld [smem:$0x3FB0];
	_ =	sdelay $0x3  }
0x33: {  	p0 =	seq.s32 s10, $0x1;
	s10 =	sld [smem:$0x3FB2];
	_ =	sdelay $0x3  }
0x34: {  	[smem:$0x3FB2] =	sst s10  }
0x35: {  	s10 =	sld [smem:$0x3FB1];
	_ =	sdelay $0x3  }
0x36: {  	p1 =	seq.s32 s10, $0x1;
	s10 =	sld [smem:$0x3FB2];
	_ =	sdelay $0x3  }
0x37: {  	[smem:$0x3FB2] =	sst s10  }
0x38: {  	s10 =	sld [smem:$0x3FB3]  }
0x39: {  	_ = 	snop;
	(pc) =	sbr.ind lr, $3  }
0x3a: {  	_ = 	snop  }
0x3b: {  	_ = 	snop  }
0x3c: {  	p2 =	seq.s32 s10, $0x1;
	s10 =	sld [smem:$0x3FB2]  }
0x3d: {  	_ =	shalt  }
0x3e: {  	_ =	shalt  }
0x3f: {  	_ =	shalt  }
0x40: {  	_ =	shalt  }
0x41: {  	_ =	shalt  }
0x42: {  	_ =	shalt  }
0x43: {  	_ =	shalt  }
0x44: {  	_ =	shalt  }
0x45: {  	_ =	shalt  }
0x46: {  	_ =	shalt  }
0x47: {  	_ =	shalt  }
0x48: {  	_ =	shalt  }
0x49: {  	_ =	shalt  }
0x4a: {  	_ =	shalt  }
0x4b: {  	_ =	shalt  }
0x4c: {  	_ =	shalt  }
0x4d: {  	_ =	shalt  }
0x4e: {  	_ =	shalt  }
0x4f: {  	_ =	shalt  }
0x50: {  	_ =	shalt  }
0x51: {  	_ =	shalt  }
0x52: {  	_ =	shalt  }
0x53: {  	_ =	shalt  }
0x54: {  	_ =	shalt  }
0x55: {  	_ =	shalt  }
0x56: {  	_ =	shalt  }
0x57: {  	_ =	shalt  }
0x58: {  	_ =	shalt  }
0x59: {  	_ =	shalt  }
0x5a: {  	_ =	shalt  }
0x5b: {  	_ =	shalt  }
0x5c: {  	_ =	shalt  }
0x5d: {  	_ =	shalt  }
0x5e: {  	_ =	shalt  }
0x5f: {  	_ =	shalt  }
0x60: {  	_ =	shalt  }
0x61: {  	_ =	shalt  }
0x62: {  	_ =	shalt  }
0x63: {  	_ =	shalt  }
0x64: {  	_ =	shalt  }
0x65: {  	_ =	shalt  }
0x66: {  	_ =	shalt  }
0x67: {  	_ =	shalt  }
0x68: {  	_ =	shalt  }
0x69: {  	_ =	shalt  }
0x6a: {  	_ =	shalt  }
0x6b: {  	_ =	shalt  }
0x6c: {  	_ =	shalt  }
0x6d: {  	_ =	shalt  }
0x6e: {  	_ =	shalt  }
0x6f: {  	_ =	shalt  }
0x70: {  	_ =	shalt  }
0x71: {  	_ =	shalt  }
0x72: {  	_ =	shalt  }
0x73: {  	_ =	shalt  }
0x74: {  	_ =	shalt  }
0x75: {  	_ =	shalt  }
0x76: {  	_ =	shalt  }
0x77: {  	_ =	shalt  }
0x78: {  	_ =	shalt  }
0x79: {  	_ =	shalt  }
0x7a: {  	_ =	shalt  }
0x7b: {  	_ =	shalt  }
0x7c: {  	_ =	shalt  }
0x7d: {  	_ =	shalt  }
0x7e: {  	_ =	shalt  }
0x7f: {  	_ =	shalt  }
0x80: {  	_ =	shalt  }
0x81: {  	_ =	shalt  }
0x82: {  	_ =	shalt  }
0x83: {  	_ =	shalt  }
0x84: {  	_ =	shalt  }
0x85: {  	_ =	shalt  }
0x86: {  	_ =	shalt  }
0x87: {  	_ =	shalt  }
.Lfunc_end0:
.L_simem_size_0:
called_computation_lowered:
.L_overlay_start_0:
0x88: {  	s2 =	sld [smem:$0x3FD9]  }
0x89: {  	s3 =	sld [smem:$0x3FFE];
	_ =	sdelay $0x1  }
0x8a: {  	s1 =	srdreg.scid  }
0x8b: {  	s0 =	sand.u32 $0x1, s1  }
0x8c: {  	s17 =	sshll.u32 s0, $0xA;
	s2 =	sadd.s32 s3, s2  }
0x8d: {  	s2 =	sadd.s32 s2, s17  }
0x8e: {  	[smem:$0x3FBE] =	sst s2  }
0x8f: {  	_ = 	snop  }
0x90: {  	s2 =	sld [smem:$0x3FD0];
	(tm) =	ssettm $0x1  }
0x91: {  	s18 =	sld [smem:$0x3FFB];
	_ =	sdelay $0x3  }
0x92: {  	_ =	strace s18  }
0x93: {  	s3 =	sld [smem:$0x3FFC];
	_ =	sdelay $0x3  }
0x94: {  	_ =	strace s3  }
0x95: {  	s3 =	sld [smem:$0x3FFD];
	_ =	sdelay $0x3  }
0x96: {  	_ =	strace s3  }
0x97: {  	_ =	strace $0x8FFFFFFF  }
0x98: {  	s19 =	sld [smem:$0x3FDB];
	_ =	sdelay $0x1  }
0x99: {  	s4 =	simm.s32 $_scs_section_size  }
0x9a: {  	s5 =	simm.s32 $_size__tile_overlayer_lowered;
	s6 =	simm.s32 $_tile_overlayer_lowered  }
0x9b: {  	s22 =	simm.s32 $0x1BFF;
	s21 =	sshll.u32 s6, $0x1;
	s3 =	sadd.s32 s4, s19  }
0x9c: {  	s7 =	simm.s32 $0x0;
	s20 =	sshll.u32 s5, $0x1;
	s5 =	sadd.s32 s21, s3  }
0x9d: {  	[timem:s7], [sflag:s22] =	dma.local [hbm:s5], s20  }
0x9e: {  	_ =	swait.ge [sflag:s22], s20  }
0x9f: {  	s4 =	ssub.s32 $0x0, s20;
	[sflag:s22] =	ssyncset.done $0x0  }
0xa0: {  	[sflag:s22] =	ssyncadd.s32 s4;
	_ =	sdelay $0x1  }
0xa1: {  	s23 =	simm.s32 $0x1B8B  }
0xa2: {  	_ =	swait.ge [sflag:s23], $0x1  }
0xa3: {  	[sflag:s23] =	ssyncset.done $0x0  }
0xa4: {  	s25 =	simm.s32 $0x1B8E;
	s24 =	sld [smem:$0x3FFE];
	[sflag:s23] =	ssyncadd.s32 $0xFFFFFFFF  }
0xa5: {  	s26 =	simm.s32 $execute0_lowered;
	[smem:$0x3FD2] =	sst s25  }
0xa6: {  	s5 =	sshll.u32 s26, $0x1;
	_ =	strace $0x80000046;
	[dreg:$0x1] =	wrdreg $0xFFFFFFFF  }
0xa7: {  	s28 =	simm.s32 $_size_execute0_lowered;
	s3 =	sadd.s32 s3, s5;
	[dreg:$0x0] =	wrdreg $0x0  }
0xa8: {  	s5 =	sshll.u32 s28, $0x1;
	[dreg:$0x2] =	wrdreg s3  }
0xa9: {  	[dreg:$0x3] =	wrdreg s5  }
0xaa: {  	[dreg:$0x4] =	wrdreg $0xC0  }
0xab: {  	_ =	task [dreg:s7], $0x5FFFF  }
0xac: {  	[dreg:$0x1] =	wrdreg $0xFFFFFFFF  }
0xad: {  	[dreg:$0x0] =	wrdreg $0x60  }
0xae: {  	[dreg:$0x2] =	wrdreg s24  }
0xaf: {  	[dreg:$0x3] =	wrdreg s2  }
0xb0: {  	[dreg:$0x4] =	wrdreg $0xD9800  }
0xb1: {  	[dreg:$0x5] =	wrdreg $0x1A1800  }
0xb2: {  	[dreg:$0x6] =	wrdreg $0x9  }
0xb3: {  	_ =	task.clear_ibuf [dreg:s7], $0x7FFFF;
	_ =	strace $0x90000046  }
0xb4: {  	s29 =	simm.s32 $0x9;
	_ =	strace $0x80000048  }
0xb5: {  	_ =	swait.ge [sflag:s29], $0x1  }
0xb6: {  	[sflag:s29] =	ssyncadd.s32 $0xFFFFFFFF  }
0xb7: {  	_ =	strace $0x90000048  }
0xb8: {  	_ =	sfence  }
0xb9: {  	s30 =	sld [smem:$0x0];
	_ =	sdelay $0x2  }
0xba: {  	s31 =	sshll.u32 s1, $0xD;
	s1 =	sshrl.u32 s1, $0x2  }
0xbb: {  	s3 =	sand.u32 $0x4000, s31;
	s1 =	sadd.s32 s1, s30  }
0xbc: {  	s0 =	sor.u32 s3, s0;
	s1 =	sshll.u32 s1, $0x11  }
0xbd: {  	s0 =	sor.u32 s1, s0  }
0xbe: {  	s0 =	sadd.s32 $0x8F2B, s0  }
0xbf: {  	[sflag:s0] =	ssyncadd.remote.s32 $0x1  }
0xc0: {  	_ =	sfence.sel $0xFFFF  }
0xc1: {  	[dreg:$0x0] =	wrdreg $0xFFFFFFFF;
	(pc) =	sbr.abs _section_cstart, $3  }
0xc2: {  	[dreg:$0x1] =	wrdreg $0xFFFFFFFF  }
0xc3: {  	_ =	task.clear_ibuf [dreg:s7], $0x2FFFF;
	_ =	strace $0x9FFFFFFF  }
0xc4: {  	(tm) =	ssettm $0x7FFFFFFF  }
0xc5: {  	_ =	shalt  }
tec
execute0_lowered:
.L_overlay_start_1:
0x0: {  	(tag) =	ssettag $0x1  }
0x1: {  	s0 =	rddreg [dreg:$0x0]  }
0x2: {  	s1 =	rddreg [dreg:$0x1]  }
0x3: {  	s2 =	rddreg [dreg:$0x2];
	s13 =	stileid.u32  }
0x4: {  	s4 =	srdreg.scid;
	s3 =	rddreg [dreg:$0x3];
	s14 =	simm.s32 $0x17C00  }
0x5: {  	s17 =	simm.s32 $0xB100;
	s18 =	simm.s32 $0x2;
	s20 =	simm.s32 $0x2800  }
0x6: {  	s21 =	simm.s32 $0x5000;
	s28 =	simm.s32 $0xD900;
	s31 =	simm.s32 $0x0  }
0x7: {  	s5 =	smul.u32 $0xA000, s13;
	s6 =	sand.u32 $0x1, s4;
	s4 =	simm.s32 $0x0  }
0x8: {  	s23 =	sadd.s32 $0x2E00, s0;
	s24 =	sadd.s32 $0x3400, s0;
	s12 =	smul.u32 $0xC800, s13  }
0x9: {  	s29 =	smul.u32 $0x32000, s13;
	s7 =	sshll.u32 s6, $0x4;
	[smem:$0x7FF] =	sst s4  }
0xa: {  	s25 =	ssub.s32 $0x2, s6;
	p0 =	seq.s32 s6, $0x1;
	s8 =	sshrl.u32 s5, $0x4  }
0xb: {  	s7 =	sor.u32 s13, s7;
	_ =	strace $0x80000047;
	[dreg:$0x5] =	wrdreg s23  }
0xc: {  	[dreg:$0x6] =	wrdreg s24;
	s11 =	sshrl.u32 s25, $0x1;
	s5 =	sshrl.u32 s5, $0x1  }
0xd: {  	s30 =	sshrl.u32 s12, $0x3;
	s22 =	sadd.s32 s12, s2;
	s14 =	simm.s32 @!p0 $0x30C00  }
0xe: {  	s23 =	simm.s32 $0x80;
	s24 =	simm.s32 $0xA100;
	s8 =	sadd.s32 s8, s0  }
0xf: {  	s9 =	smul.u32 $0x510, s7;
	s11 =	ssub.s32 s25, s11;
	s5 =	sadd.s32 s5, s3  }
0x10: {  	s25 =	sshrl.u32 s22, $0x3;
	s26 =	sadd.s32 $0x3A00, s8;
	s19 =	sshrl.u32 s5, $0x3  }
0x11: {  	s10 =	sadd.s32 s9, s0;
	[dreg:$0x7] =	wrdreg s26;
	s1 =	sadd.s32 s1, s9  }
0x12: {  	s0 =	sadd.s32 s14, s0;
	[dreg:$0x8] =	wrdreg s1;
	s1 =	sshrl.u32 s29, $0x2  }
0x13: {  	s9 =	sadd.s32 $0xDA00, s10;
	s10 =	smax.u32 s11, $0x1;
	s11 =	sadd.s32 s1, s2  }
0x14: {  	s26 =	simm.s32 $0x1;
	s16 =	sadd.s32 s0, s30;
	s12 =	sadd.s32 $0x2800, s11  }
0x15: {  	v0 =	vimm.f32 $0.0e+00;
	s13 =	sadd.s32 $0x5000, s11;
	s14 =	sadd.s32 $0x7800, s11;
	s15 =	sadd.s32 $0xA000, s11  }
.LBB2_1:
0x16: {  	s1 =	simm.s32 $0x140;
	s0 =	simm.s32 $0x0  }
.LBB2_2:
0x17: {  	p0 =	sne.s32 s1, $0x9EC0;
	[tilespmem:s0+$0xB140] =	vst v0;
	s5 =	smov.u32 s1;
	s1 =	sadd.s32 $0x140, s1  }
.Ltmp0:
0x18: {  	[tilespmem:s0+$0xB130] =	vst v0;
	(pc) =	sbr.rel @p0 .LBB2_2-.Ltmp0, $4  }
0x19: {  	[tilespmem:s0+$0xB120] =	vst v0  }
0x1a: {  	[tilespmem:s0+$0xB100] =	vst v0  }
0x1b: {  	[tilespmem:s0+$0xB110] =	vst v0  }
0x1c: {  	s0 =	sshra.s32 s5, $0x2  }
0x1d: {  	[tilespmem:s0+$0xB140] =	vst v0  }
0x1e: {  	[tilespmem:s0+$0xB130] =	vst v0  }
0x1f: {  	[tilespmem:s0+$0xB120] =	vst v0  }
0x20: {  	[tilespmem:s0+$0xB100] =	vst v0  }
0x21: {  	[tilespmem:s0+$0xB110] =	vst v0  }
0x22: {  	[spmem:s11] =	stream.linear.scatter [tilespmem:s17], [sflag:$0x2], $0x2800, $0x38;
	[tilespmem:$0x1F180] =	vst v63  }
0x23: {  	_ =	swait.ge [sflag:s18], $0x2800  }
0x24: {  	[sflag:s18] =	ssyncset.done $0x0  }
0x25: {  	[sflag:s18] =	ssyncadd.s32 $0xFFFFD800  }
0x26: {  	[spmem:s12] =	stream.linear.scatter [tilespmem:s17], [sflag:$0x2], $0x2800, $0x38;
	[tilespmem:$0x1F180] =	vst v63  }
0x27: {  	_ =	swait.ge [sflag:s18], $0x2800  }
0x28: {  	[sflag:s18] =	ssyncset.done $0x0  }
0x29: {  	[sflag:s18] =	ssyncadd.s32 $0xFFFFD800  }
0x2a: {  	[spmem:s13] =	stream.linear.scatter [tilespmem:s17], [sflag:$0x2], $0x2800, $0x38;
	[tilespmem:$0x1F180] =	vst v63  }
0x2b: {  	_ =	swait.ge [sflag:s18], $0x2800  }
0x2c: {  	[sflag:s18] =	ssyncset.done $0x0  }
0x2d: {  	[sflag:s18] =	ssyncadd.s32 $0xFFFFD800  }
0x2e: {  	[spmem:s14] =	stream.linear.scatter [tilespmem:s17], [sflag:$0x2], $0x2800, $0x38;
	[tilespmem:$0x1F180] =	vst v63  }
0x2f: {  	_ =	swait.ge [sflag:s18], $0x2800  }
0x30: {  	[sflag:s18] =	ssyncset.done $0x0  }
0x31: {  	[sflag:s18] =	ssyncadd.s32 $0xFFFFD800  }
0x32: {  	[spmem:s15] =	stream.linear.scatter [tilespmem:s17], [sflag:$0x2], $0x2800, $0x38;
	[tilespmem:$0x1F180] =	vst v63  }
0x33: {  	s5 =	stileid.u32;
	_ =	swait.ge [sflag:s18], $0x2800  }
0x34: {  	s0 =	sshll.u32 s5, $0x6;
	[sflag:s18] =	ssyncset.done $0x0  }
0x35: {  	s30 =	sor.u32 $0x1C02, s0;
	s6 =	rddreg [dreg:$0x7];
	[sflag:s18] =	ssyncadd.s32 $0xFFFFD800  }
0x36: {  	[spmem:s19], [sflag:s30] =	dma.local [hbm:s6], $0xA00  }
0x37: {  	_ =	swait.ge [sflag:s18], $0xA00  }
0x38: {  	[sflag:s18] =	ssyncset.done $0x0  }
0x39: {  	s7 =	rddreg [dreg:$0x5];
	[sflag:s18] =	ssyncadd.s32 $0xFFFFF600  }
0x3a: {  	[tilespmem:s31], [sflag:$0x2] =	stream.linear.gather [hbm4b:s7+s31], $0x2800, $0x38;
	[tilespmem:$0x1F180] =	vst v63  }
0x3b: {  	_ =	swait.ge [sflag:s18], $0x2800  }
0x3c: {  	[sflag:s18] =	ssyncset.done $0x0  }
0x3d: {  	s8 =	rddreg [dreg:$0x6];
	[sflag:s18] =	ssyncadd.s32 $0xFFFFD800  }
0x3e: {  	[tilespmem:s20], [sflag:$0x2] =	stream.linear.gather [hbm4b:s8+s31], $0x2800, $0x38;
	[tilespmem:$0x1F180] =	vst v63  }
0x3f: {  	_ =	swait.ge [sflag:s18], $0x2800  }
0x40: {  	[sflag:s18] =	ssyncset.done $0x0  }
0x41: {  	s22 =	rddreg [dreg:$0x8];
	[sflag:s18] =	ssyncadd.s32 $0xFFFFD800  }
0x42: {  	[tilespmem:s21], [sflag:$0x2] =	stream.linear.gather [hbm4b:s22+s31], $0x2880, $0x38;
	[tilespmem:$0x1F180] =	vst v63  }
0x43: {  	_ =	swait.ge [sflag:s18], $0x2880  }
0x44: {  	[sflag:s18] =	ssyncset.done $0x0  }
0x45: {  	s29 =	simm.s32 $0x7880;
	[sflag:s18] =	ssyncadd.s32 $0xFFFFD780  }
0x46: {  	[tilespmem:s29], [sflag:$0x2] =	stream.linear.gather [hbm4b:s9+s31], $0x2880, $0x38;
	[tilespmem:$0x1F180] =	vst v63  }
0x47: {  	_ =	swait.ge [sflag:s18], $0x2880  }
0x48: {  	[sflag:s18] =	ssyncset.done $0x0  }
0x49: {  	[sflag:s18] =	ssyncadd.s32 $0xFFFFD780  }
0x4a: {  	s1 =	simm.s32 $0x0;
	[bflag:$0x0] =	sbarrier.arrive $0xFFFF  }
0x4b: {  	[tilespmem:s24], [sflag:$0x1] =	stream.indirect.gather [spmem:s3], $0x20, s21, s23, $0xb8;
	[tilespmem:$0x1F180] =	vst v63  }
.LBB2_4:
0x4c: {  	s22 =	sshll.u32 s1, $0x7  }
0x4d: {  	v1 =	vld [tilespmem:s22+$0x5000]  }
0x4e: {  	v2 =	vld [tilespmem:s22+$0x7880];
	_ =	sdelay $0x6  }
0x4f: {  	v1 =	vld.idx.msk [tilespmem:v1+s31+$0x0], $0xffff  }
0x50: {  	v2 =	vld.idx.msk [tilespmem:v2+s20+$0x0], $0xffff;
	_ =	sdelay $0x4  }
0x51: {  	v1 =	vadd.f32 v2, v1;
	_ =	sdelay $0x1  }
0x52: {  	v2 =	vmul.f32 $2.000000030e-01, v1  }
0x53: {  	vm0 =	vgt.f32 v1, $0.0e+00  }
0x54: {  	v1 =	vsel vm0, v1, v2  }
0x55: {  	v1 =	vmul.f32 $1.442695020e+00, v1;
	_ =	sdelay $0x1  }
0x56: {  	(erf) = vpow2.f32 v1;
	_ =	sdelay $0x8  }
0x57: {  	v1 =	vpop (erf)  }
0x58: {  	[tilespmem:$0xD900] =	vst v1  }
0x59: {  	v1 =	vld [tilespmem:s22+$0x5010]  }
0x5a: {  	v2 =	vld [tilespmem:s22+$0x7890];
	_ =	sdelay $0x6  }
0x5b: {  	v1 =	vld.idx.msk [tilespmem:v1+s31+$0x0], $0xffff  }
0x5c: {  	v2 =	vld.idx.msk [tilespmem:v2+s20+$0x0], $0xffff;
	_ =	sdelay $0x4  }
0x5d: {  	v1 =	vadd.f32 v2, v1;
	_ =	sdelay $0x1  }
0x5e: {  	v2 =	vmul.f32 $2.000000030e-01, v1  }
0x5f: {  	vm9 =	vgt.f32 v1, $0.0e+00  }
0x60: {  	v1 =	vsel vm9, v1, v2  }
0x61: {  	v1 =	vmul.f32 $1.442695020e+00, v1;
	_ =	sdelay $0x1  }
0x62: {  	(erf) = vpow2.f32 v1;
	_ =	sdelay $0x8  }
0x63: {  	v1 =	vpop (erf)  }
0x64: {  	[tilespmem:$0xD910] =	vst v1  }
0x65: {  	v1 =	vld [tilespmem:s22+$0x5020]  }
0x66: {  	v2 =	vld [tilespmem:s22+$0x78A0];
	_ =	sdelay $0x6  }
0x67: {  	v1 =	vld.idx.msk [tilespmem:v1+s31+$0x0], $0xffff  }
0x68: {  	v2 =	vld.idx.msk [tilespmem:v2+s20+$0x0], $0xffff;
	_ =	sdelay $0x4  }
0x69: {  	v1 =	vadd.f32 v2, v1;
	_ =	sdelay $0x1  }
0x6a: {  	v2 =	vmul.f32 $2.000000030e-01, v1  }
0x6b: {  	vm10 =	vgt.f32 v1, $0.0e+00  }
0x6c: {  	v1 =	vsel vm10, v1, v2  }
0x6d: {  	v1 =	vmul.f32 $1.442695020e+00, v1;
	_ =	sdelay $0x1  }
0x6e: {  	(erf) = vpow2.f32 v1;
	_ =	sdelay $0x8  }
0x6f: {  	v1 =	vpop (erf)  }
0x70: {  	[tilespmem:$0xD920] =	vst v1  }
0x71: {  	v1 =	vld [tilespmem:s22+$0x5030]  }
0x72: {  	v2 =	vld [tilespmem:s22+$0x78B0];
	_ =	sdelay $0x6  }
0x73: {  	v1 =	vld.idx.msk [tilespmem:v1+s31+$0x0], $0xffff  }
0x74: {  	v2 =	vld.idx.msk [tilespmem:v2+s20+$0x0], $0xffff;
	_ =	sdelay $0x4  }
0x75: {  	v1 =	vadd.f32 v2, v1;
	_ =	sdelay $0x1  }
0x76: {  	v2 =	vmul.f32 $2.000000030e-01, v1  }
0x77: {  	vm11 =	vgt.f32 v1, $0.0e+00  }
0x78: {  	v1 =	vsel vm11, v1, v2  }
0x79: {  	v1 =	vmul.f32 $1.442695020e+00, v1;
	_ =	sdelay $0x1  }
0x7a: {  	(erf) = vpow2.f32 v1;
	_ =	sdelay $0x8  }
0x7b: {  	v1 =	vpop (erf)  }
0x7c: {  	[tilespmem:$0xD930] =	vst v1  }
0x7d: {  	v1 =	vld [tilespmem:s22+$0x5040]  }
0x7e: {  	v2 =	vld [tilespmem:s22+$0x78C0];
	_ =	sdelay $0x6  }
0x7f: {  	v1 =	vld.idx.msk [tilespmem:v1+s31+$0x0], $0xffff  }
0x80: {  	v2 =	vld.idx.msk [tilespmem:v2+s20+$0x0], $0xffff;
	_ =	sdelay $0x4  }
0x81: {  	v1 =	vadd.f32 v2, v1;
	_ =	sdelay $0x1  }
0x82: {  	v2 =	vmul.f32 $2.000000030e-01, v1  }
0x83: {  	vm12 =	vgt.f32 v1, $0.0e+00  }
0x84: {  	v1 =	vsel vm12, v1, v2  }
0x85: {  	v1 =	vmul.f32 $1.442695020e+00, v1;
	_ =	sdelay $0x1  }
0x86: {  	(erf) = vpow2.f32 v1;
	_ =	sdelay $0x8  }
0x87: {  	v1 =	vpop (erf)  }
0x88: {  	[tilespmem:$0xD940] =	vst v1  }
0x89: {  	v1 =	vld [tilespmem:s22+$0x5050]  }
0x8a: {  	v2 =	vld [tilespmem:s22+$0x78D0];
	_ =	sdelay $0x6  }
0x8b: {  	v1 =	vld.idx.msk [tilespmem:v1+s31+$0x0], $0xffff  }
0x8c: {  	v2 =	vld.idx.msk [tilespmem:v2+s20+$0x0], $0xffff;
	_ =	sdelay $0x4  }
0x8d: {  	v1 =	vadd.f32 v2, v1;
	_ =	sdelay $0x1  }
0x8e: {  	v2 =	vmul.f32 $2.000000030e-01, v1  }
0x8f: {  	vm13 =	vgt.f32 v1, $0.0e+00  }
0x90: {  	v1 =	vsel vm13, v1, v2  }
0x91: {  	v1 =	vmul.f32 $1.442695020e+00, v1;
	_ =	sdelay $0x1  }
0x92: {  	(erf) = vpow2.f32 v1;
	_ =	sdelay $0x8  }
0x93: {  	v1 =	vpop (erf)  }
0x94: {  	[tilespmem:$0xD950] =	vst v1  }
0x95: {  	v1 =	vld [tilespmem:s22+$0x5060]  }
0x96: {  	v2 =	vld [tilespmem:s22+$0x78E0];
	_ =	sdelay $0x6  }
0x97: {  	v1 =	vld.idx.msk [tilespmem:v1+s31+$0x0], $0xffff  }
0x98: {  	v2 =	vld.idx.msk [tilespmem:v2+s20+$0x0], $0xffff;
	_ =	sdelay $0x4  }
0x99: {  	v1 =	vadd.f32 v2, v1;
	_ =	sdelay $0x1  }
0x9a: {  	v2 =	vmul.f32 $2.000000030e-01, v1  }
0x9b: {  	vm14 =	vgt.f32 v1, $0.0e+00  }
0x9c: {  	v1 =	vsel vm14, v1, v2  }
0x9d: {  	v1 =	vmul.f32 $1.442695020e+00, v1;
	_ =	sdelay $0x1  }
0x9e: {  	(erf) = vpow2.f32 v1;
	_ =	sdelay $0x8  }
0x9f: {  	v1 =	vpop (erf)  }
0xa0: {  	[tilespmem:$0xD960] =	vst v1  }
0xa1: {  	v1 =	vld [tilespmem:s22+$0x5070]  }
0xa2: {  	v2 =	vld [tilespmem:s22+$0x78F0];
	_ =	sdelay $0x6  }
0xa3: {  	v1 =	vld.idx.msk [tilespmem:v1+s31+$0x0], $0xffff  }
0xa4: {  	v2 =	vld.idx.msk [tilespmem:v2+s20+$0x0], $0xffff;
	_ =	sdelay $0x4  }
0xa5: {  	v1 =	vadd.f32 v2, v1;
	_ =	sdelay $0x1  }
0xa6: {  	v2 =	vmul.f32 $2.000000030e-01, v1  }
0xa7: {  	vm15 =	vgt.f32 v1, $0.0e+00  }
0xa8: {  	v1 =	vsel vm15, v1, v2  }
0xa9: {  	v1 =	vmul.f32 $1.442695020e+00, v1;
	_ =	sdelay $0x1  }
0xaa: {  	(erf) = vpow2.f32 v1;
	_ =	sdelay $0x8  }
0xab: {  	v1 =	vpop (erf)  }
0xac: {  	[tilespmem:$0xD970] =	vst v1;
	v1 =	vmov s31  }
0xad: {  	_ =	swait.ge [sflag:s26], $0x1000  }
0xae: {  	[sflag:s26] =	ssyncset.done $0x0  }
0xaf: {  	s0 =	simm.s32 $0xA110;
	[sflag:s26] =	ssyncadd.s32 $0xFFFFF000  }
0xb0: {  	v2 =	vld [tilespmem:s0+$0xFFFFFFF0]  }
0xb1: {  	v4 =	vld.idx.msk [tilespmem:v1+s28+$0x0], $0xffff;
	_ =	sdelay $0x3  }
0xb2: {  	v1 =	vshll.u32 v2, $0x10  }
0xb3: {  	v2 =	vand.u32 $0xFFFF0000, v2;
	v1 =	vmul.f32 v1, v4  }
0xb4: {  	s29 =	simm.s32 $0xB120;
	v2 =	vmul.f32 v2, v4  }
0xb5: {  	[tilespmem:s29+$0xFFFFFFE0] =	vst v1  }
0xb6: {  	[tilespmem:s29+$0xFFFFFFF0] =	vst v2  }
0xb7: {  	v1 =	vld [tilespmem:s0+$0x0];
	_ =	sdelay $0x4  }
0xb8: {  	s5 =	simm.s32 $0x1;
	v2 =	vshll.u32 v1, $0x10;
	v5 =	vand.u32 $0xFFFF0000, v1  }
0xb9: {  	s6 =	simm.s32 $0x2;
	[tilespmem:s29+$0x20] =	vst v4;
	v1 =	vmov s5;
	s5 =	simm.s32 $0xB120;
	v3 =	vmul.f32 v2, v4;
	v2 =	vmul.f32 v5, v4  }
.LBB2_5:
0xba: {  	s29 =	sadd.s32 $0x50, s29  }
0xbb: {  	s0 =	sadd.s32 $0x20, s0;
	s7 =	smov.u32 s6;
	s8 =	sadd.s32 $0x1, s6  }
0xbc: {  	p0 =	sne.s32 s6, $0x7F;
	[tilespmem:s5+$0x0] =	vst v3  }
0xbd: {  	[tilespmem:s5+$0x10] =	vst v2;
	s5 =	smov.u32 s29  }
0xbe: {  	v2 =	vld [tilespmem:s0+$0xFFFFFFF0]  }
0xbf: {  	v4 =	vld.idx.msk [tilespmem:v1+s28+$0x0], $0xffff;
	_ =	sdelay $0x4  }
0xc0: {  	v1 =	vshll.u32 v2, $0x10;
	v2 =	vand.u32 $0xFFFF0000, v2  }
0xc1: {  	v1 =	vmul.f32 v1, v4;
	v2 =	vmul.f32 v2, v4;
	_ =	sdelay $0x1  }
0xc2: {  	[tilespmem:s29+$0xFFFFFFE0] =	vst v1  }
0xc3: {  	[tilespmem:s29+$0xFFFFFFF0] =	vst v2  }
0xc4: {  	v1 =	vld [tilespmem:s0+$0x0]  }
0xc5: {  	[tilespmem:s29+$0x20] =	vst v4  }
.Ltmp1:
0xc6: {  	(pc) =	sbr.rel @p0 .LBB2_5-.Ltmp1, $3  }
0xc7: {  	_ =	sdelay $0x1  }
0xc8: {  	v2 =	vshll.u32 v1, $0x10;
	v5 =	vand.u32 $0xFFFF0000, v1  }
0xc9: {  	s6 =	smov.u32 s8;
	v1 =	vmov s7;
	v3 =	vmul.f32 v2, v4;
	v2 =	vmul.f32 v5, v4  }
0xca: {  	_ = 	snop  }
0xcb: {  	[tilespmem:s5+$0x0] =	vst v3  }
0xcc: {  	s0 =	sadd.s32 $0x20, s0;
	[tilespmem:s5+$0x10] =	vst v2  }
0xcd: {  	v2 =	vld [tilespmem:s0+$0xFFFFFFF0]  }
0xce: {  	v1 =	vld.idx.msk [tilespmem:v1+s28+$0x0], $0xffff;
	_ =	sdelay $0x3  }
0xcf: {  	v3 =	vshll.u32 v2, $0x10  }
0xd0: {  	v2 =	vand.u32 $0xFFFF0000, v2;
	v3 =	vmul.f32 v3, v1  }
0xd1: {  	s7 =	sadd.s32 $0x50, s29;
	v2 =	vmul.f32 v2, v1  }
0xd2: {  	[tilespmem:s7+$0xFFFFFFE0] =	vst v3  }
0xd3: {  	[tilespmem:s7+$0xFFFFFFF0] =	vst v2  }
0xd4: {  	v2 =	vld [tilespmem:s0+$0x0];
	_ =	sdelay $0x4  }
0xd5: {  	v3 =	vshll.u32 v2, $0x10  }
0xd6: {  	s1 =	sadd.s32 $0x1, s1;
	v2 =	vand.u32 $0xFFFF0000, v2;
	v3 =	vmul.f32 v3, v1  }
0xd7: {  	s8 =	sshll.u32 s1, $0x7;
	[tilespmem:s7+$0x20] =	vst v1;
	v1 =	vmul.f32 v2, v1  }
0xd8: {  	s0 =	sand.u32 $0x3FFFFF80, s8;
	[tilespmem:s7+$0x0] =	vst v3  }
0xd9: {  	s29 =	sand.u32 $0x3FFFFF80, s22;
	p0 =	sne.s32 s1, $0x50;
	s0 =	sadd.s32 $0x5000, s0;
	[tilespmem:s7+$0x10] =	vst v1  }
0xda: {  	[tilespmem:s24], [sflag:$0x1] =	stream.indirect.gather [spmem:s3], $0x20, s0, s23, $0xb8;
	[tilespmem:$0x1F180] =	vst v63  }
.Ltmp2:
0xdb: {  	s0 =	sadd.s32 $0x7880, s29;
	(pc) =	sbr.rel @p0 .LBB2_4-.Ltmp2, $4  }
0xdc: {  	[spmem:s2] =	stream.indirect.scatter.add.f32 [tilespmem:s17], [sflag:$0x2], $0x50, s0, s23, $0xb8;
	[tilespmem:$0x1F180] =	vst v63  }
0xdd: {  	_ =	swait.ge [sflag:s18], $0x2800  }
0xde: {  	[sflag:s18] =	ssyncset.done $0x0  }
0xdf: {  	[sflag:s18] =	ssyncadd.s32 $0xFFFFD800  }
0xe0: {  	v1 =	vld [tilespmem:$0x7800]  }
0xe1: {  	v2 =	vld [tilespmem:$0xA080];
	_ =	sdelay $0x5  }
0xe2: {  	s1 =	simm.s32 $0x0  }
0xe3: {  	v1 =	vld.idx.msk [tilespmem:v1+s1+$0x0], $0xffff  }
0xe4: {  	v2 =	vld.idx.msk [tilespmem:v2+s20+$0x0], $0xffff;
	_ =	sdelay $0x4  }
0xe5: {  	v1 =	vadd.f32 v2, v1;
	_ =	sdelay $0x1  }
0xe6: {  	v2 =	vmul.f32 $2.000000030e-01, v1  }
0xe7: {  	vm0 =	vgt.f32 v1, $0.0e+00  }
0xe8: {  	v1 =	vsel vm0, v1, v2  }
0xe9: {  	v1 =	vmul.f32 $1.442695020e+00, v1;
	_ =	sdelay $0x1  }
0xea: {  	(erf) = vpow2.f32 v1;
	_ =	sdelay $0x2  }
0xeb: {  	v1 =	vld [tilespmem:$0x7810]  }
0xec: {  	v2 =	vld [tilespmem:$0xA090];
	_ =	sdelay $0x4  }
0xed: {  	v3 =	vpop (erf)  }
0xee: {  	[tilespmem:$0xD900] =	vst v3  }
0xef: {  	v1 =	vld.idx.msk [tilespmem:v1+s1+$0x0], $0xffff  }
0xf0: {  	v2 =	vld.idx.msk [tilespmem:v2+s20+$0x0], $0xffff;
	_ =	sdelay $0x4  }
0xf1: {  	v1 =	vadd.f32 v2, v1;
	_ =	sdelay $0x1  }
0xf2: {  	v2 =	vmul.f32 $2.000000030e-01, v1  }
0xf3: {  	vm9 =	vgt.f32 v1, $0.0e+00  }
0xf4: {  	v1 =	vsel vm9, v1, v2  }
0xf5: {  	v1 =	vmul.f32 $1.442695020e+00, v1;
	_ =	sdelay $0x1  }
0xf6: {  	(erf) = vpow2.f32 v1;
	_ =	sdelay $0x2  }
0xf7: {  	v1 =	vld [tilespmem:$0x7820]  }
0xf8: {  	v2 =	vld [tilespmem:$0xA0A0];
	_ =	sdelay $0x4  }
0xf9: {  	v3 =	vpop (erf)  }
0xfa: {  	[tilespmem:$0xD910] =	vst v3  }
0xfb: {  	v1 =	vld.idx.msk [tilespmem:v1+s1+$0x0], $0xffff  }
0xfc: {  	v2 =	vld.idx.msk [tilespmem:v2+s20+$0x0], $0xffff;
	_ =	sdelay $0x4  }
0xfd: {  	v1 =	vadd.f32 v2, v1;
	_ =	sdelay $0x1  }
0xfe: {  	v2 =	vmul.f32 $2.000000030e-01, v1  }
0xff: {  	vm10 =	vgt.f32 v1, $0.0e+00  }
0x100: {  	v1 =	vsel vm10, v1, v2  }
0x101: {  	v1 =	vmul.f32 $1.442695020e+00, v1;
	_ =	sdelay $0x1  }
0x102: {  	(erf) = vpow2.f32 v1;
	_ =	sdelay $0x2  }
0x103: {  	v1 =	vld [tilespmem:$0x7830]  }
0x104: {  	v2 =	vld [tilespmem:$0xA0B0];
	_ =	sdelay $0x4  }
0x105: {  	v3 =	vpop (erf)  }
0x106: {  	[tilespmem:$0xD920] =	vst v3  }
0x107: {  	v1 =	vld.idx.msk [tilespmem:v1+s1+$0x0], $0xffff  }
0x108: {  	v2 =	vld.idx.msk [tilespmem:v2+s20+$0x0], $0xffff;
	_ =	sdelay $0x4  }
0x109: {  	v1 =	vadd.f32 v2, v1;
	_ =	sdelay $0x1  }
0x10a: {  	v2 =	vmul.f32 $2.000000030e-01, v1  }
0x10b: {  	vm11 =	vgt.f32 v1, $0.0e+00  }
0x10c: {  	v1 =	vsel vm11, v1, v2  }
0x10d: {  	v1 =	vmul.f32 $1.442695020e+00, v1;
	_ =	sdelay $0x1  }
0x10e: {  	(erf) = vpow2.f32 v1;
	_ =	sdelay $0x2  }
0x10f: {  	v1 =	vld [tilespmem:$0x7840]  }
0x110: {  	v2 =	vld [tilespmem:$0xA0C0];
	_ =	sdelay $0x4  }
0x111: {  	v3 =	vpop (erf)  }
0x112: {  	[tilespmem:$0xD930] =	vst v3  }
0x113: {  	v1 =	vld.idx.msk [tilespmem:v1+s1+$0x0], $0xffff  }
0x114: {  	v2 =	vld.idx.msk [tilespmem:v2+s20+$0x0], $0xffff;
	_ =	sdelay $0x4  }
0x115: {  	v1 =	vadd.f32 v2, v1;
	_ =	sdelay $0x1  }
0x116: {  	v2 =	vmul.f32 $2.000000030e-01, v1  }
0x117: {  	vm12 =	vgt.f32 v1, $0.0e+00  }
0x118: {  	v1 =	vsel vm12, v1, v2  }
0x119: {  	v1 =	vmul.f32 $1.442695020e+00, v1;
	_ =	sdelay $0x1  }
0x11a: {  	(erf) = vpow2.f32 v1;
	_ =	sdelay $0x2  }
0x11b: {  	v1 =	vld [tilespmem:$0x7850]  }
0x11c: {  	v2 =	vld [tilespmem:$0xA0D0];
	_ =	sdelay $0x4  }
0x11d: {  	v3 =	vpop (erf)  }
0x11e: {  	[tilespmem:$0xD940] =	vst v3  }
0x11f: {  	v1 =	vld.idx.msk [tilespmem:v1+s1+$0x0], $0xffff  }
0x120: {  	v2 =	vld.idx.msk [tilespmem:v2+s20+$0x0], $0xffff;
	_ =	sdelay $0x4  }
0x121: {  	v1 =	vadd.f32 v2, v1;
	_ =	sdelay $0x1  }
0x122: {  	v2 =	vmul.f32 $2.000000030e-01, v1  }
0x123: {  	vm13 =	vgt.f32 v1, $0.0e+00  }
0x124: {  	v1 =	vsel vm13, v1, v2  }
0x125: {  	v1 =	vmul.f32 $1.442695020e+00, v1;
	_ =	sdelay $0x1  }
0x126: {  	(erf) = vpow2.f32 v1;
	_ =	sdelay $0x2  }
0x127: {  	v1 =	vld [tilespmem:$0x7860]  }
0x128: {  	v2 =	vld [tilespmem:$0xA0E0];
	_ =	sdelay $0x4  }
0x129: {  	v3 =	vpop (erf)  }
0x12a: {  	[tilespmem:$0xD950] =	vst v3  }
0x12b: {  	v1 =	vld.idx.msk [tilespmem:v1+s1+$0x0], $0xffff  }
0x12c: {  	v2 =	vld.idx.msk [tilespmem:v2+s20+$0x0], $0xffff;
	_ =	sdelay $0x4  }
0x12d: {  	v1 =	vadd.f32 v2, v1;
	_ =	sdelay $0x1  }
0x12e: {  	v2 =	vmul.f32 $2.000000030e-01, v1  }
0x12f: {  	vm14 =	vgt.f32 v1, $0.0e+00  }
0x130: {  	v1 =	vsel vm14, v1, v2  }
0x131: {  	v1 =	vmul.f32 $1.442695020e+00, v1;
	_ =	sdelay $0x1  }
0x132: {  	(erf) = vpow2.f32 v1;
	_ =	sdelay $0x2  }
0x133: {  	v1 =	vld [tilespmem:$0x7870]  }
0x134: {  	v2 =	vld [tilespmem:$0xA0F0];
	_ =	sdelay $0x4  }
0x135: {  	v3 =	vpop (erf)  }
0x136: {  	[tilespmem:$0xD960] =	vst v3  }
0x137: {  	v1 =	vld.idx.msk [tilespmem:v1+s1+$0x0], $0xffff  }
0x138: {  	v2 =	vld.idx.msk [tilespmem:v2+s20+$0x0], $0xffff;
	_ =	sdelay $0x4  }
0x139: {  	v1 =	vadd.f32 v2, v1;
	_ =	sdelay $0x1  }
0x13a: {  	v2 =	vmul.f32 $2.000000030e-01, v1  }
0x13b: {  	vm15 =	vgt.f32 v1, $0.0e+00  }
0x13c: {  	v1 =	vsel vm15, v1, v2  }
0x13d: {  	v1 =	vmul.f32 $1.442695020e+00, v1;
	_ =	sdelay $0x1  }
0x13e: {  	(erf) = vpow2.f32 v1;
	_ =	sdelay $0x8  }
0x13f: {  	v1 =	vpop (erf)  }
0x140: {  	[tilespmem:$0xD970] =	vst v1;
	v1 =	vmov s1  }
0x141: {  	_ =	swait.ge [sflag:s26], $0x1000  }
0x142: {  	[sflag:s26] =	ssyncset.done $0x0  }
0x143: {  	s0 =	simm.s32 $0xA110;
	[sflag:s26] =	ssyncadd.s32 $0xFFFFF000  }
0x144: {  	v2 =	vld [tilespmem:s0+$0xFFFFFFF0]  }
0x145: {  	v4 =	vld.idx.msk [tilespmem:v1+s28+$0x0], $0xffff;
	_ =	sdelay $0x3  }
0x146: {  	v1 =	vshll.u32 v2, $0x10  }
0x147: {  	v2 =	vand.u32 $0xFFFF0000, v2;
	v1 =	vmul.f32 v1, v4  }
0x148: {  	s1 =	simm.s32 $0xB120;
	v2 =	vmul.f32 v2, v4  }
0x149: {  	[tilespmem:s1+$0xFFFFFFE0] =	vst v1  }
0x14a: {  	[tilespmem:s1+$0xFFFFFFF0] =	vst v2  }
0x14b: {  	v1 =	vld [tilespmem:s0+$0x0];
	_ =	sdelay $0x4  }
0x14c: {  	s5 =	simm.s32 $0x1;
	v2 =	vshll.u32 v1, $0x10;
	v5 =	vand.u32 $0xFFFF0000, v1  }
0x14d: {  	s6 =	simm.s32 $0x2;
	[tilespmem:s1+$0x20] =	vst v4;
	v1 =	vmov s5;
	s5 =	simm.s32 $0xB120;
	v3 =	vmul.f32 v2, v4;
	v2 =	vmul.f32 v5, v4  }
.LBB2_8:
0x14e: {  	s1 =	sadd.s32 $0x50, s1  }
0x14f: {  	s0 =	sadd.s32 $0x20, s0;
	s7 =	smov.u32 s6;
	s8 =	sadd.s32 $0x1, s6  }
0x150: {  	p0 =	sne.s32 s6, $0x7F;
	[tilespmem:s5+$0x0] =	vst v3  }
0x151: {  	[tilespmem:s5+$0x10] =	vst v2;
	s5 =	smov.u32 s1  }
0x152: {  	v2 =	vld [tilespmem:s0+$0xFFFFFFF0]  }
0x153: {  	v4 =	vld.idx.msk [tilespmem:v1+s28+$0x0], $0xffff;
	_ =	sdelay $0x4  }
0x154: {  	v1 =	vshll.u32 v2, $0x10;
	v2 =	vand.u32 $0xFFFF0000, v2  }
0x155: {  	v1 =	vmul.f32 v1, v4;
	v2 =	vmul.f32 v2, v4;
	_ =	sdelay $0x1  }
0x156: {  	[tilespmem:s1+$0xFFFFFFE0] =	vst v1  }
0x157: {  	[tilespmem:s1+$0xFFFFFFF0] =	vst v2  }
0x158: {  	v1 =	vld [tilespmem:s0+$0x0]  }
0x159: {  	[tilespmem:s1+$0x20] =	vst v4  }
.Ltmp3:
0x15a: {  	(pc) =	sbr.rel @p0 .LBB2_8-.Ltmp3, $3  }
0x15b: {  	_ =	sdelay $0x1  }
0x15c: {  	v2 =	vshll.u32 v1, $0x10;
	v5 =	vand.u32 $0xFFFF0000, v1  }
0x15d: {  	s6 =	smov.u32 s8;
	v1 =	vmov s7;
	v3 =	vmul.f32 v2, v4;
	v2 =	vmul.f32 v5, v4  }
0x15e: {  	_ = 	snop  }
0x15f: {  	[tilespmem:s5+$0x0] =	vst v3  }
0x160: {  	s0 =	sadd.s32 $0x20, s0;
	[tilespmem:s5+$0x10] =	vst v2  }
0x161: {  	v2 =	vld [tilespmem:s0+$0xFFFFFFF0]  }
0x162: {  	v1 =	vld.idx.msk [tilespmem:v1+s28+$0x0], $0xffff;
	_ =	sdelay $0x3  }
0x163: {  	v3 =	vshll.u32 v2, $0x10  }
0x164: {  	v2 =	vand.u32 $0xFFFF0000, v2;
	v3 =	vmul.f32 v3, v1  }
0x165: {  	s1 =	sadd.s32 $0x50, s1;
	v2 =	vmul.f32 v2, v1  }
0x166: {  	[tilespmem:s1+$0xFFFFFFE0] =	vst v3  }
0x167: {  	[tilespmem:s1+$0xFFFFFFF0] =	vst v2  }
0x168: {  	v2 =	vld [tilespmem:s0+$0x0];
	_ =	sdelay $0x4  }
0x169: {  	v3 =	vshll.u32 v2, $0x10  }
0x16a: {  	v2 =	vand.u32 $0xFFFF0000, v2;
	v3 =	vmul.f32 v3, v1  }
0x16b: {  	[tilespmem:s1+$0x20] =	vst v1;
	v1 =	vmul.f32 v2, v1  }
0x16c: {  	[tilespmem:s1+$0x0] =	vst v3  }
0x16d: {  	s29 =	simm.s32 $0xA080;
	[tilespmem:s1+$0x10] =	vst v1  }
0x16e: {  	[spmem:s2] =	stream.indirect.scatter.add.f32 [tilespmem:s17], [sflag:$0x2], $0x50, s29, s23, $0xb8;
	[tilespmem:$0x1F180] =	vst v63  }
0x16f: {  	_ =	swait.ge [sflag:s18], $0x2800  }
0x170: {  	s4 =	sadd.s32 $0x1, s4;
	[sflag:s18] =	ssyncset.done $0x0  }
0x171: {  	p0 =	sne.s32 s4, s10;
	[sflag:s18] =	ssyncadd.s32 $0xFFFFD800  }
.Ltmp4:
0x172: {  	[bflag:$0x0] =	sbarrier.arrive $0xFFFF;
	(pc) =	sbr.rel @p0 .LBB2_1-.Ltmp4, $4  }
0x173: {  	[hbm:s16], [sflag:s30] =	dma.local [spmem:s25], $0x1900  }
0x174: {  	_ =	swait.ge [sflag:s18], $0x1900  }
0x175: {  	[sflag:s18] =	ssyncset.done $0x0  }
0x176: {  	[sflag:s18] =	ssyncadd.s32 $0xFFFFE700  }
0x177: {  	_ =	sfence.sel $0x180000  }
0x178: {  	[bflag:$0x0] =	sbarrier.arrive $0xFFFF  }
0x179: {  	_ =	strace $0x90000047  }
0x17a: {  	s0 =	stileid.u32;
	[bflag:$0x2] =	sbarrier.arrive $0xFFFF  }
0x17b: {  	p0 =	sne.s32 s0, $0x0;
	s0 =	rddreg [dreg:$0x4]  }
0x17c: {  	s0 =	sadd.s32 @!p0 $0x100000, s0  }
0x17d: {  	[sflag:s0] =	ssyncadd.tile.s32 @!p0 $0x1;
	_ =	shalt  }
.Lfunc_end2:
_tile_overlayer_lowered:
.L_overlay_start_2:
0x17e: {  	(tag) =	ssettag $0x2  }
0x17f: {  	s0 =	rddreg [dreg:$0x0];
	s2 =	stileid.u32  }
0x180: {  	s1 =	rddreg [dreg:$0x1];
	p0 =	sne.s32 s2, $0x0  }
0x181: {  	s3 =	rddreg [dreg:$0x2];
	[bflag:$0x3] =	sbarrier.arrive $0xFFFF;
	s2 =	simm.s32 @!p0 $0x1C02  }
0x182: {  	[timem:s3], [sflag:s2] =	dma.local @!p0 [hbm:s0], s1  }
0x183: {  	s0 =	simm.s32 @!p0 $0x2  }
0x184: {  	_ =	swait.ge @!p0 [sflag:s0], s1  }
0x185: {  	s1 =	ssub.s32 @!p0 $0x0, s1;
	[sflag:s0] =	ssyncset.done @!p0 $0x0  }
0x186: {  	[sflag:s0] =	ssyncadd.s32 @!p0 s1  }
0x187: {  	[bflag:$0x3] =	sbarrier.arrive $0xFFFF  }
0x188: {  	_ =	shalt  }

</sc_bundles>
